<compile_context>
chip_gen: v7x
topology: tpu7x:2x2x1
jax: 0.10.2.dev20260603
libtpu: 0.0.44.dev20260713+nightly
codegen_flags: <defaults>
</compile_context>

<pallas_src>
import jax
import jax.numpy as jnp
from jax import lax
from jax.experimental import pallas as pl
from jax.experimental.pallas import tpu as pltpu
from jax.experimental.pallas import tpu_sc as plsc

D = 1024
LANES = 16
NC = 2
NS = 16
NW = NC * NS
C = 32
NSLOT = 3
NPRE = 2


def _sc_body(x_hbm, idx_hbm, table_hbm, out_hbm, idx_v, table_v, x_buf, sem_in, sem_out):
    wid = lax.axis_index("s") * NC + lax.axis_index("c")
    n_tok = x_hbm.shape[0]
    t_per_w = n_tok // NW
    n_chunks = t_per_w // C
    base = wid * t_per_w

    n_idx_rows = t_per_w // LANES
    pltpu.sync_copy(idx_hbm.at[pl.ds(wid * n_idx_rows, n_idx_rows)], idx_v)
    pltpu.sync_copy(table_hbm, table_v)

    def start_in(g):
        s = lax.rem(g, NSLOT)
        pltpu.async_copy(x_hbm.at[pl.ds(base + g * C, C)], x_buf.at[s], sem_in.at[s])

    def wait_in(g):
        s = lax.rem(g, NSLOT)
        pltpu.make_async_copy(x_hbm.at[pl.ds(base + g * C, C)], x_buf.at[s], sem_in.at[s]).wait()

    def start_out(g):
        s = lax.rem(g, NSLOT)
        pltpu.async_copy(x_buf.at[s], out_hbm.at[pl.ds(base + g * C, C)], sem_out.at[s])

    def wait_out(g):
        s = lax.rem(g, NSLOT)
        pltpu.make_async_copy(x_buf.at[s], out_hbm.at[pl.ds(base + g * C, C)], sem_out.at[s]).wait()

    for g in range(NPRE):
        start_in(g)

    iota = lax.iota(jnp.int32, LANES)

    def lane_bcast(vec, t):
        idxs = jnp.full((LANES, 1), t, jnp.int32)
        return lax.gather(
            vec,
            idxs,
            dimension_numbers=lax.GatherDimensionNumbers(
                offset_dims=(), collapsed_slice_dims=(0,), start_index_map=(0,)
            ),
            slice_sizes=(1,),
            mode=lax.GatherScatterMode.PROMISE_IN_BOUNDS,
        )

    def chunk_body(g, carry):
        s = lax.rem(g, NSLOT)
        @pl.when(g >= NSLOT - NPRE)
        def _():
            wait_out(g - (NSLOT - NPRE))

        @pl.when(g + NPRE < n_chunks)
        def _():
            start_in(g + NPRE)

        wait_in(g)
        ids = [idx_v[g * (C // LANES) + j] * D for j in range(C // LANES)]
        rows = [lane_bcast(ids[t // LANES], t % LANES) for t in range(C)]

        @plsc.parallel_loop(0, D // LANES, unroll=4)
        def _(c):
            col = iota + c * LANES
            for t in range(C):
                v = plsc.load_gather(table_v, [rows[t] + col])
                plsc.addupdate(x_buf.at[s, t, pl.ds(c * LANES, LANES)], v)

        start_out(g)
        return carry

    lax.fori_loop(0, n_chunks, chunk_body, 0)
    for g in range(n_chunks - (NSLOT - NPRE), n_chunks):
        wait_out(g)


def kernel(x, keywords_type, type_embedding):
    b, s, d = x.shape
    n = b * s
    x2 = x.reshape(n, d)
    idx2 = keywords_type.astype(jnp.int32).reshape(n // LANES, LANES)
    table_flat = type_embedding.reshape(-1)

    mesh = plsc.VectorSubcoreMesh(core_axis_name="c", subcore_axis_name="s")
    run = pl.kernel(
        _sc_body,
        mesh=mesh,
        compiler_params=pltpu.CompilerParams(needs_layout_passes=False),
        out_type=jax.ShapeDtypeStruct((n, d), jnp.float32),
        scratch_types=[
            pltpu.VMEM((n // NW // LANES, LANES), jnp.int32),
            pltpu.VMEM((6 * D,), jnp.float32),
            pltpu.VMEM((NSLOT, C, d), jnp.float32),
            pltpu.SemaphoreType.DMA((NSLOT,)),
            pltpu.SemaphoreType.DMA((NSLOT,)),
        ],
    )
    out = run(x2, idx2, table_flat)
    return out.reshape(b, s, d)

# --- scband reference (transcript-rebuilt; emitter-appended) ---
"""Pipeline reference for scband-keywords-encoding-23871428231810 (READ-ONLY COPY).

The authoritative reference and input builder live on the scoring server;
editing this copy changes nothing except your own understanding.
"""

import jax, jax.numpy as jnp
import numpy as np

D_MODEL = 1024
KEYWORDS_TYPE = 6
BATCH = 4
SEQ = 8192

def setup_inputs(seed: int = 0) -> dict:
    key = jax.random.key(seed)
    k1, k2, k3 = jax.random.split(key, 3)
    x = jax.random.normal(k1, (BATCH, SEQ, D_MODEL), dtype=jnp.float32)
    keywords_type = jax.random.randint(k2, (BATCH, SEQ), 0, KEYWORDS_TYPE, dtype=jnp.int64 if jax.config.jax_enable_x64 else jnp.int32)
    # nn.Embedding default init: N(0, 1)
    type_embedding = jax.random.normal(k3, (KEYWORDS_TYPE, D_MODEL), dtype=jnp.float32)
    return {"x": x, "keywords_type": keywords_type, "type_embedding": type_embedding}

def reference(x, keywords_type, type_embedding):
    # x: [B, S, d_model]; keywords_type: [B, S] int
    # forward: x + type_embedding(keywords_type), then dropout (identity in eval mode)
    emb = jnp.take(type_embedding, keywords_type, axis=0)  # [B, S, d_model]
    out = x + emb
    return out

if __name__ == "__main__":
    import jax
    _d = setup_inputs()
    print(jax.jit(kernel)(*tuple(_d.values())))

</pallas_src>

<mosaic_0001>
#map = affine_map<(d0, d1) -> (0, 0)>
#map1 = affine_map<(d0, d1) -> (0)>
module attributes {stable_mosaic.version = 14 : i64} {
  func.func @_sc_body(%arg0: i32, %arg1: i32, %arg2: memref<32768x1024xf32, #tpu.memory_space<hbm>>, %arg3: memref<2048x16xi32, #tpu.memory_space<hbm>>, %arg4: memref<6144xf32, #tpu.memory_space<hbm>>, %arg5: memref<32768x1024xf32, #tpu.memory_space<hbm>>, %arg6: memref<64x16xi32, #tpu.memory_space<vmem>>, %arg7: memref<6144xf32, #tpu.memory_space<vmem>>, %arg8: memref<3x32x1024xf32, #tpu.memory_space<vmem>>, %arg9: memref<3x!tpu.dma_semaphore, #tpu.memory_space<semaphore_mem>>, %arg10: memref<3x!tpu.dma_semaphore, #tpu.memory_space<semaphore_mem>>) attributes {dimension_semantics = [#tpu.dimension_semantics<core_parallel>, #tpu.dimension_semantics<subcore_parallel>], iteration_bounds = array<i64: 2, 16>, scalar_prefetch = 0 : i64, scratch_operands = 5 : i64, tpu.core_type = #tpu.core_type<sc_vector_subcore>, window_params = [{transform_indices = #map}, {transform_indices = #map}, {transform_indices = #map1}, {transform_indices = #map}]} {
    %mul3A = arith.constant 2 : i32
    %mul3A_0 = arith.muli %arg1, %mul3A : i32
    %add3A = arith.addi %mul3A_0, %arg0 : i32
    %mul3A_1 = arith.constant 1024 : i32
    %mul3A_2 = arith.muli %add3A, %mul3A_1 : i32
    %mul3A_3 = arith.constant 64 : i32
    %mul3A_4 = arith.muli %add3A, %mul3A_3 : i32
    "tpu.region"() ({
      %run_scoped3A = tpu.sem_alloc : memref<!tpu.dma_semaphore, #tpu.memory_space<semaphore_mem>>
      %dma_start3A_64 = arith.constant 0 : i32
      %dma_start3A_65 = tpu.memref_slice %arg3[%mul3A_4, %dma_start3A_64] : memref<2048x16xi32, #tpu.memory_space<hbm>> -> memref<64x16xi32, #tpu.memory_space<hbm>>
      %dma_start3A_66 = arith.constant 0 : i32
      %dma_start3A_67 = tpu.memref_slice %arg3[%mul3A_4, %dma_start3A_66] : memref<2048x16xi32, #tpu.memory_space<hbm>> -> memref<64x16xi32, #tpu.memory_space<hbm>>
      tpu.enqueue_dma source(%dma_start3A_67 : memref<64x16xi32, #tpu.memory_space<hbm>>) target(%arg6 : memref<64x16xi32, #tpu.memory_space<vmem>>) target_semaphore(%run_scoped3A : memref<!tpu.dma_semaphore, #tpu.memory_space<semaphore_mem>>)
      %dma_wait3A_68 = arith.constant 0 : i32
      %dma_wait3A_69 = tpu.memref_slice %arg3[%mul3A_4, %dma_wait3A_68] : memref<2048x16xi32, #tpu.memory_space<hbm>> -> memref<64x16xi32, #tpu.memory_space<hbm>>
      %dma_wait3A_70 = arith.constant 0 : i32
      %dma_wait3A_71 = tpu.memref_slice %arg3[%mul3A_4, %dma_wait3A_70] : memref<2048x16xi32, #tpu.memory_space<hbm>> -> memref<64x16xi32, #tpu.memory_space<hbm>>
      tpu.wait_dma2 semaphore(%run_scoped3A : memref<!tpu.dma_semaphore, #tpu.memory_space<semaphore_mem>>) src(%dma_wait3A_71 : memref<64x16xi32, #tpu.memory_space<hbm>>) dst(%arg6 : memref<64x16xi32, #tpu.memory_space<vmem>>)
      tpu.yield
    }) : () -> ()
    "tpu.region"() ({
      %run_scoped3A = tpu.sem_alloc : memref<!tpu.dma_semaphore, #tpu.memory_space<semaphore_mem>>
      tpu.enqueue_dma source(%arg4 : memref<6144xf32, #tpu.memory_space<hbm>>) target(%arg7 : memref<6144xf32, #tpu.memory_space<vmem>>) target_semaphore(%run_scoped3A : memref<!tpu.dma_semaphore, #tpu.memory_space<semaphore_mem>>)
      tpu.wait_dma2 semaphore(%run_scoped3A : memref<!tpu.dma_semaphore, #tpu.memory_space<semaphore_mem>>) src(%arg4 : memref<6144xf32, #tpu.memory_space<hbm>>) dst(%arg7 : memref<6144xf32, #tpu.memory_space<vmem>>)
      tpu.yield
    }) : () -> ()
    %rem3A = arith.constant 0 : i32
    %rem3A_5 = arith.constant 3 : i32
    %rem3A_6 = arith.remsi %rem3A, %rem3A_5 : i32
    %add3A_7 = arith.constant 0 : i32
    %add3A_8 = arith.addi %mul3A_2, %add3A_7 : i32
    %dma_start3A = arith.constant 0 : i32
    %dma_start3A_9 = arith.constant 0 : i32
    %dma_start3A_10 = tpu.memref_slice %arg8[%rem3A_6, %dma_start3A, %dma_start3A_9] : memref<3x32x1024xf32, #tpu.memory_space<vmem>> -> memref<1x32x1024xf32, #tpu.memory_space<vmem>>
    %dma_start3A_11 = tpu.memref_squeeze %dma_start3A_10 : memref<1x32x1024xf32, #tpu.memory_space<vmem>> -> memref<32x1024xf32, #tpu.memory_space<vmem>>
    %dma_start3A_12 = arith.constant 0 : i32
    %dma_start3A_13 = tpu.memref_slice %arg2[%add3A_8, %dma_start3A_12] : memref<32768x1024xf32, #tpu.memory_space<hbm>> -> memref<32x1024xf32, #tpu.memory_space<hbm>>
    %dma_start3A_14 = tpu.memref_slice %arg9[%rem3A_6] : memref<3x!tpu.dma_semaphore, #tpu.memory_space<semaphore_mem>> -> memref<1x!tpu.dma_semaphore, #tpu.memory_space<semaphore_mem>>
    %dma_start3A_15 = tpu.memref_squeeze %dma_start3A_14 : memref<1x!tpu.dma_semaphore, #tpu.memory_space<semaphore_mem>> -> memref<!tpu.dma_semaphore, #tpu.memory_space<semaphore_mem>>
    %dma_start3A_16 = arith.constant 0 : i32
    %dma_start3A_17 = arith.constant 0 : i32
    %dma_start3A_18 = tpu.memref_slice %arg8[%rem3A_6, %dma_start3A_16, %dma_start3A_17] : memref<3x32x1024xf32, #tpu.memory_space<vmem>> -> memref<1x32x1024xf32, #tpu.memory_space<vmem>>
    %dma_start3A_19 = tpu.memref_squeeze %dma_start3A_18 : memref<1x32x1024xf32, #tpu.memory_space<vmem>> -> memref<32x1024xf32, #tpu.memory_space<vmem>>
    %dma_start3A_20 = arith.constant 0 : i32
    %dma_start3A_21 = tpu.memref_slice %arg2[%add3A_8, %dma_start3A_20] : memref<32768x1024xf32, #tpu.memory_space<hbm>> -> memref<32x1024xf32, #tpu.memory_space<hbm>>
    tpu.enqueue_dma source(%dma_start3A_21 : memref<32x1024xf32, #tpu.memory_space<hbm>>) target(%dma_start3A_19 : memref<32x1024xf32, #tpu.memory_space<vmem>>) target_semaphore(%dma_start3A_15 : memref<!tpu.dma_semaphore, #tpu.memory_space<semaphore_mem>>)
    %rem3A_22 = arith.constant 1 : i32
    %rem3A_23 = arith.constant 3 : i32
    %rem3A_24 = arith.remsi %rem3A_22, %rem3A_23 : i32
    %add3A_25 = arith.constant 32 : i32
    %add3A_26 = arith.addi %mul3A_2, %add3A_25 : i32
    %dma_start3A_27 = arith.constant 0 : i32
    %dma_start3A_28 = arith.constant 0 : i32
    %dma_start3A_29 = tpu.memref_slice %arg8[%rem3A_24, %dma_start3A_27, %dma_start3A_28] : memref<3x32x1024xf32, #tpu.memory_space<vmem>> -> memref<1x32x1024xf32, #tpu.memory_space<vmem>>
    %dma_start3A_30 = tpu.memref_squeeze %dma_start3A_29 : memref<1x32x1024xf32, #tpu.memory_space<vmem>> -> memref<32x1024xf32, #tpu.memory_space<vmem>>
    %dma_start3A_31 = arith.constant 0 : i32
    %dma_start3A_32 = tpu.memref_slice %arg2[%add3A_26, %dma_start3A_31] : memref<32768x1024xf32, #tpu.memory_space<hbm>> -> memref<32x1024xf32, #tpu.memory_space<hbm>>
    %dma_start3A_33 = tpu.memref_slice %arg9[%rem3A_24] : memref<3x!tpu.dma_semaphore, #tpu.memory_space<semaphore_mem>> -> memref<1x!tpu.dma_semaphore, #tpu.memory_space<semaphore_mem>>
    %dma_start3A_34 = tpu.memref_squeeze %dma_start3A_33 : memref<1x!tpu.dma_semaphore, #tpu.memory_space<semaphore_mem>> -> memref<!tpu.dma_semaphore, #tpu.memory_space<semaphore_mem>>
    %dma_start3A_35 = arith.constant 0 : i32
    %dma_start3A_36 = arith.constant 0 : i32
    %dma_start3A_37 = tpu.memref_slice %arg8[%rem3A_24, %dma_start3A_35, %dma_start3A_36] : memref<3x32x1024xf32, #tpu.memory_space<vmem>> -> memref<1x32x1024xf32, #tpu.memory_space<vmem>>
    %dma_start3A_38 = tpu.memref_squeeze %dma_start3A_37 : memref<1x32x1024xf32, #tpu.memory_space<vmem>> -> memref<32x1024xf32, #tpu.memory_space<vmem>>
    %dma_start3A_39 = arith.constant 0 : i32
    %dma_start3A_40 = tpu.memref_slice %arg2[%add3A_26, %dma_start3A_39] : memref<32768x1024xf32, #tpu.memory_space<hbm>> -> memref<32x1024xf32, #tpu.memory_space<hbm>>
    tpu.enqueue_dma source(%dma_start3A_40 : memref<32x1024xf32, #tpu.memory_space<hbm>>) target(%dma_start3A_38 : memref<32x1024xf32, #tpu.memory_space<vmem>>) target_semaphore(%dma_start3A_34 : memref<!tpu.dma_semaphore, #tpu.memory_space<semaphore_mem>>)
    %iota3A = tpu.iota {dimensions = array<i32: 0>} : vector<16xi32>
    %scan3A = arith.constant 0 : i32
    %scan3A_41 = arith.constant 0 : i32
    %scan3A_42 = arith.constant 32 : i32
    %scan3A_43 = arith.addi %scan3A_41, %scan3A_42 : i32
    %scan3A_44 = arith.constant 1 : i32
    scf.for %scan3A_64 = %scan3A_41 to %scan3A_43 step %scan3A_44  : i32 {
      %rem3A_65 = arith.constant 3 : i32
      %rem3A_66 = arith.remsi %scan3A_64, %rem3A_65 : i32
      %ge3A = arith.constant 1 : i32
      %ge3A_67 = arith.cmpi sge, %scan3A_64, %ge3A : i32
      %convert_element_type3A = arith.extui %ge3A_67 : i1 to i32
      %cond3A = arith.constant 0 : i32
      %cond3A_68 = arith.cmpi ne, %convert_element_type3A, %cond3A : i32
      scf.if %cond3A_68 {
        %sub3A = arith.constant 1 : i32
        %sub3A_260 = arith.subi %scan3A_64, %sub3A : i32
        %rem3A_261 = arith.constant 3 : i32
        %rem3A_262 = arith.remsi %sub3A_260, %rem3A_261 : i32
        %mul3A_263 = arith.constant 32 : i32
        %mul3A_264 = arith.muli %sub3A_260, %mul3A_263 : i32
        %add3A_265 = arith.addi %mul3A_2, %mul3A_264 : i32
        %dma_wait3A_266 = arith.constant 0 : i32
        %dma_wait3A_267 = arith.constant 0 : i32
        %dma_wait3A_268 = tpu.memref_slice %arg8[%rem3A_262, %dma_wait3A_266, %dma_wait3A_267] : memref<3x32x1024xf32, #tpu.memory_space<vmem>> -> memref<1x32x1024xf32, #tpu.memory_space<vmem>>
        %dma_wait3A_269 = tpu.memref_squeeze %dma_wait3A_268 : memref<1x32x1024xf32, #tpu.memory_space<vmem>> -> memref<32x1024xf32, #tpu.memory_space<vmem>>
        %dma_wait3A_270 = arith.constant 0 : i32
        %dma_wait3A_271 = tpu.memref_slice %arg5[%add3A_265, %dma_wait3A_270] : memref<32768x1024xf32, #tpu.memory_space<hbm>> -> memref<32x1024xf32, #tpu.memory_space<hbm>>
        %dma_wait3A_272 = tpu.memref_slice %arg10[%rem3A_262] : memref<3x!tpu.dma_semaphore, #tpu.memory_space<semaphore_mem>> -> memref<1x!tpu.dma_semaphore, #tpu.memory_space<semaphore_mem>>
        %dma_wait3A_273 = tpu.memref_squeeze %dma_wait3A_272 : memref<1x!tpu.dma_semaphore, #tpu.memory_space<semaphore_mem>> -> memref<!tpu.dma_semaphore, #tpu.memory_space<semaphore_mem>>
        %dma_wait3A_274 = arith.constant 0 : i32
        %dma_wait3A_275 = tpu.memref_slice %arg5[%add3A_265, %dma_wait3A_274] : memref<32768x1024xf32, #tpu.memory_space<hbm>> -> memref<32x1024xf32, #tpu.memory_space<hbm>>
        %dma_wait3A_276 = arith.constant 0 : i32
        %dma_wait3A_277 = arith.constant 0 : i32
        %dma_wait3A_278 = tpu.memref_slice %arg8[%rem3A_262, %dma_wait3A_276, %dma_wait3A_277] : memref<3x32x1024xf32, #tpu.memory_space<vmem>> -> memref<1x32x1024xf32, #tpu.memory_space<vmem>>
        %dma_wait3A_279 = tpu.memref_squeeze %dma_wait3A_278 : memref<1x32x1024xf32, #tpu.memory_space<vmem>> -> memref<32x1024xf32, #tpu.memory_space<vmem>>
        tpu.wait_dma2 semaphore(%dma_wait3A_273 : memref<!tpu.dma_semaphore, #tpu.memory_space<semaphore_mem>>) src(%dma_wait3A_279 : memref<32x1024xf32, #tpu.memory_space<vmem>>) dst(%dma_wait3A_275 : memref<32x1024xf32, #tpu.memory_space<hbm>>)
      } else {
      }
      %add3A_69 = arith.constant 2 : i32
      %add3A_70 = arith.addi %scan3A_64, %add3A_69 : i32
      %lt3A = arith.constant 32 : i32
      %lt3A_71 = arith.cmpi slt, %add3A_70, %lt3A : i32
      %convert_element_type3A_72 = arith.extui %lt3A_71 : i1 to i32
      %cond3A_73 = arith.constant 0 : i32
      %cond3A_74 = arith.cmpi ne, %convert_element_type3A_72, %cond3A_73 : i32
      scf.if %cond3A_74 {
        %add3A_260 = arith.constant 2 : i32
        %add3A_261 = arith.addi %scan3A_64, %add3A_260 : i32
        %rem3A_262 = arith.constant 3 : i32
        %rem3A_263 = arith.remsi %add3A_261, %rem3A_262 : i32
        %mul3A_264 = arith.constant 32 : i32
        %mul3A_265 = arith.muli %add3A_261, %mul3A_264 : i32
        %add3A_266 = arith.addi %mul3A_2, %mul3A_265 : i32
        %dma_start3A_267 = arith.constant 0 : i32
        %dma_start3A_268 = arith.constant 0 : i32
        %dma_start3A_269 = tpu.memref_slice %arg8[%rem3A_263, %dma_start3A_267, %dma_start3A_268] : memref<3x32x1024xf32, #tpu.memory_space<vmem>> -> memref<1x32x1024xf32, #tpu.memory_space<vmem>>
        %dma_start3A_270 = tpu.memref_squeeze %dma_start3A_269 : memref<1x32x1024xf32, #tpu.memory_space<vmem>> -> memref<32x1024xf32, #tpu.memory_space<vmem>>
        %dma_start3A_271 = arith.constant 0 : i32
        %dma_start3A_272 = tpu.memref_slice %arg2[%add3A_266, %dma_start3A_271] : memref<32768x1024xf32, #tpu.memory_space<hbm>> -> memref<32x1024xf32, #tpu.memory_space<hbm>>
        %dma_start3A_273 = tpu.memref_slice %arg9[%rem3A_263] : memref<3x!tpu.dma_semaphore, #tpu.memory_space<semaphore_mem>> -> memref<1x!tpu.dma_semaphore, #tpu.memory_space<semaphore_mem>>
        %dma_start3A_274 = tpu.memref_squeeze %dma_start3A_273 : memref<1x!tpu.dma_semaphore, #tpu.memory_space<semaphore_mem>> -> memref<!tpu.dma_semaphore, #tpu.memory_space<semaphore_mem>>
        %dma_start3A_275 = arith.constant 0 : i32
        %dma_start3A_276 = arith.constant 0 : i32
        %dma_start3A_277 = tpu.memref_slice %arg8[%rem3A_263, %dma_start3A_275, %dma_start3A_276] : memref<3x32x1024xf32, #tpu.memory_space<vmem>> -> memref<1x32x1024xf32, #tpu.memory_space<vmem>>
        %dma_start3A_278 = tpu.memref_squeeze %dma_start3A_277 : memref<1x32x1024xf32, #tpu.memory_space<vmem>> -> memref<32x1024xf32, #tpu.memory_space<vmem>>
        %dma_start3A_279 = arith.constant 0 : i32
        %dma_start3A_280 = tpu.memref_slice %arg2[%add3A_266, %dma_start3A_279] : memref<32768x1024xf32, #tpu.memory_space<hbm>> -> memref<32x1024xf32, #tpu.memory_space<hbm>>
        tpu.enqueue_dma source(%dma_start3A_280 : memref<32x1024xf32, #tpu.memory_space<hbm>>) target(%dma_start3A_278 : memref<32x1024xf32, #tpu.memory_space<vmem>>) target_semaphore(%dma_start3A_274 : memref<!tpu.dma_semaphore, #tpu.memory_space<semaphore_mem>>)
      } else {
      }
      %rem3A_75 = arith.constant 3 : i32
      %rem3A_76 = arith.remsi %scan3A_64, %rem3A_75 : i32
      %mul3A_77 = arith.constant 32 : i32
      %mul3A_78 = arith.muli %scan3A_64, %mul3A_77 : i32
      %add3A_79 = arith.addi %mul3A_2, %mul3A_78 : i32
      %dma_wait3A_80 = arith.constant 0 : i32
      %dma_wait3A_81 = arith.constant 0 : i32
      %dma_wait3A_82 = tpu.memref_slice %arg8[%rem3A_76, %dma_wait3A_80, %dma_wait3A_81] : memref<3x32x1024xf32, #tpu.memory_space<vmem>> -> memref<1x32x1024xf32, #tpu.memory_space<vmem>>
      %dma_wait3A_83 = tpu.memref_squeeze %dma_wait3A_82 : memref<1x32x1024xf32, #tpu.memory_space<vmem>> -> memref<32x1024xf32, #tpu.memory_space<vmem>>
      %dma_wait3A_84 = arith.constant 0 : i32
      %dma_wait3A_85 = tpu.memref_slice %arg2[%add3A_79, %dma_wait3A_84] : memref<32768x1024xf32, #tpu.memory_space<hbm>> -> memref<32x1024xf32, #tpu.memory_space<hbm>>
      %dma_wait3A_86 = tpu.memref_slice %arg9[%rem3A_76] : memref<3x!tpu.dma_semaphore, #tpu.memory_space<semaphore_mem>> -> memref<1x!tpu.dma_semaphore, #tpu.memory_space<semaphore_mem>>
      %dma_wait3A_87 = tpu.memref_squeeze %dma_wait3A_86 : memref<1x!tpu.dma_semaphore, #tpu.memory_space<semaphore_mem>> -> memref<!tpu.dma_semaphore, #tpu.memory_space<semaphore_mem>>
      %dma_wait3A_88 = arith.constant 0 : i32
      %dma_wait3A_89 = arith.constant 0 : i32
      %dma_wait3A_90 = tpu.memref_slice %arg8[%rem3A_76, %dma_wait3A_88, %dma_wait3A_89] : memref<3x32x1024xf32, #tpu.memory_space<vmem>> -> memref<1x32x1024xf32, #tpu.memory_space<vmem>>
      %dma_wait3A_91 = tpu.memref_squeeze %dma_wait3A_90 : memref<1x32x1024xf32, #tpu.memory_space<vmem>> -> memref<32x1024xf32, #tpu.memory_space<vmem>>
      %dma_wait3A_92 = arith.constant 0 : i32
      %dma_wait3A_93 = tpu.memref_slice %arg2[%add3A_79, %dma_wait3A_92] : memref<32768x1024xf32, #tpu.memory_space<hbm>> -> memref<32x1024xf32, #tpu.memory_space<hbm>>
      tpu.wait_dma2 semaphore(%dma_wait3A_87 : memref<!tpu.dma_semaphore, #tpu.memory_space<semaphore_mem>>) src(%dma_wait3A_93 : memref<32x1024xf32, #tpu.memory_space<hbm>>) dst(%dma_wait3A_91 : memref<32x1024xf32, #tpu.memory_space<vmem>>)
      %mul3A_94 = arith.constant 2 : i32
      %mul3A_95 = arith.muli %scan3A_64, %mul3A_94 : i32
      %add3A_96 = arith.constant 0 : i32
      %add3A_97 = arith.addi %mul3A_95, %add3A_96 : i32
      %get3A = arith.index_cast %add3A_97 : i32 to index
      %get3A_98 = arith.constant 0 : index
      %get3A_99 = tpu.vector_load %arg6[%get3A, %get3A_98] {strides = array<i32>} : memref<64x16xi32, #tpu.memory_space<vmem>>, vector<16xi32>,
      %mul3A_100 = arith.constant 1024 : i32
      %mul3A_101 = vector.broadcast %mul3A_100 : i32 to vector<16xi32>
      %mul3A_102 = arith.muli %get3A_99, %mul3A_101 : vector<16xi32>
      %mul3A_103 = arith.constant 2 : i32
      %mul3A_104 = arith.muli %scan3A_64, %mul3A_103 : i32
      %add3A_105 = arith.constant 1 : i32
      %add3A_106 = arith.addi %mul3A_104, %add3A_105 : i32
      %get3A_107 = arith.index_cast %add3A_106 : i32 to index
      %get3A_108 = arith.constant 0 : index
      %get3A_109 = tpu.vector_load %arg6[%get3A_107, %get3A_108] {strides = array<i32>} : memref<64x16xi32, #tpu.memory_space<vmem>>, vector<16xi32>,
      %mul3A_110 = arith.constant 1024 : i32
      %mul3A_111 = vector.broadcast %mul3A_110 : i32 to vector<16xi32>
      %mul3A_112 = arith.muli %get3A_109, %mul3A_111 : vector<16xi32>
      %broadcast_in_dim3A = arith.constant 0 : i32
      %broadcast_in_dim3A_113 = vector.broadcast %broadcast_in_dim3A : i32 to vector<16x1xi32>
      %gather3A = vector.shape_cast %broadcast_in_dim3A_113 : vector<16x1xi32> to vector<16xi32>
      %gather3A_114 = tpu.dynamic_gather %mul3A_102[%gather3A] in [0] : vector<16xi32>, vector<16xi32> -> vector<16xi32>
      %broadcast_in_dim3A_115 = arith.constant 1 : i32
      %broadcast_in_dim3A_116 = vector.broadcast %broadcast_in_dim3A_115 : i32 to vector<16x1xi32>
      %gather3A_117 = vector.shape_cast %broadcast_in_dim3A_116 : vector<16x1xi32> to vector<16xi32>
      %gather3A_118 = tpu.dynamic_gather %mul3A_102[%gather3A_117] in [0] : vector<16xi32>, vector<16xi32> -> vector<16xi32>
      %broadcast_in_dim3A_119 = arith.constant 2 : i32
      %broadcast_in_dim3A_120 = vector.broadcast %broadcast_in_dim3A_119 : i32 to vector<16x1xi32>
      %gather3A_121 = vector.shape_cast %broadcast_in_dim3A_120 : vector<16x1xi32> to vector<16xi32>
      %gather3A_122 = tpu.dynamic_gather %mul3A_102[%gather3A_121] in [0] : vector<16xi32>, vector<16xi32> -> vector<16xi32>
      %broadcast_in_dim3A_123 = arith.constant 3 : i32
      %broadcast_in_dim3A_124 = vector.broadcast %broadcast_in_dim3A_123 : i32 to vector<16x1xi32>
      %gather3A_125 = vector.shape_cast %broadcast_in_dim3A_124 : vector<16x1xi32> to vector<16xi32>
      %gather3A_126 = tpu.dynamic_gather %mul3A_102[%gather3A_125] in [0] : vector<16xi32>, vector<16xi32> -> vector<16xi32>
      %broadcast_in_dim3A_127 = arith.constant 4 : i32
      %broadcast_in_dim3A_128 = vector.broadcast %broadcast_in_dim3A_127 : i32 to vector<16x1xi32>
      %gather3A_129 = vector.shape_cast %broadcast_in_dim3A_128 : vector<16x1xi32> to vector<16xi32>
      %gather3A_130 = tpu.dynamic_gather %mul3A_102[%gather3A_129] in [0] : vector<16xi32>, vector<16xi32> -> vector<16xi32>
      %broadcast_in_dim3A_131 = arith.constant 5 : i32
      %broadcast_in_dim3A_132 = vector.broadcast %broadcast_in_dim3A_131 : i32 to vector<16x1xi32>
      %gather3A_133 = vector.shape_cast %broadcast_in_dim3A_132 : vector<16x1xi32> to vector<16xi32>
      %gather3A_134 = tpu.dynamic_gather %mul3A_102[%gather3A_133] in [0] : vector<16xi32>, vector<16xi32> -> vector<16xi32>
      %broadcast_in_dim3A_135 = arith.constant 6 : i32
      %broadcast_in_dim3A_136 = vector.broadcast %broadcast_in_dim3A_135 : i32 to vector<16x1xi32>
      %gather3A_137 = vector.shape_cast %broadcast_in_dim3A_136 : vector<16x1xi32> to vector<16xi32>
      %gather3A_138 = tpu.dynamic_gather %mul3A_102[%gather3A_137] in [0] : vector<16xi32>, vector<16xi32> -> vector<16xi32>
      %broadcast_in_dim3A_139 = arith.constant 7 : i32
      %broadcast_in_dim3A_140 = vector.broadcast %broadcast_in_dim3A_139 : i32 to vector<16x1xi32>
      %gather3A_141 = vector.shape_cast %broadcast_in_dim3A_140 : vector<16x1xi32> to vector<16xi32>
      %gather3A_142 = tpu.dynamic_gather %mul3A_102[%gather3A_141] in [0] : vector<16xi32>, vector<16xi32> -> vector<16xi32>
      %broadcast_in_dim3A_143 = arith.constant 8 : i32
      %broadcast_in_dim3A_144 = vector.broadcast %broadcast_in_dim3A_143 : i32 to vector<16x1xi32>
      %gather3A_145 = vector.shape_cast %broadcast_in_dim3A_144 : vector<16x1xi32> to vector<16xi32>
      %gather3A_146 = tpu.dynamic_gather %mul3A_102[%gather3A_145] in [0] : vector<16xi32>, vector<16xi32> -> vector<16xi32>
      %broadcast_in_dim3A_147 = arith.constant 9 : i32
      %broadcast_in_dim3A_148 = vector.broadcast %broadcast_in_dim3A_147 : i32 to vector<16x1xi32>
      %gather3A_149 = vector.shape_cast %broadcast_in_dim3A_148 : vector<16x1xi32> to vector<16xi32>
      %gather3A_150 = tpu.dynamic_gather %mul3A_102[%gather3A_149] in [0] : vector<16xi32>, vector<16xi32> -> vector<16xi32>
      %broadcast_in_dim3A_151 = arith.constant 10 : i32
      %broadcast_in_dim3A_152 = vector.broadcast %broadcast_in_dim3A_151 : i32 to vector<16x1xi32>
      %gather3A_153 = vector.shape_cast %broadcast_in_dim3A_152 : vector<16x1xi32> to vector<16xi32>
      %gather3A_154 = tpu.dynamic_gather %mul3A_102[%gather3A_153] in [0] : vector<16xi32>, vector<16xi32> -> vector<16xi32>
      %broadcast_in_dim3A_155 = arith.constant 11 : i32
      %broadcast_in_dim3A_156 = vector.broadcast %broadcast_in_dim3A_155 : i32 to vector<16x1xi32>
      %gather3A_157 = vector.shape_cast %broadcast_in_dim3A_156 : vector<16x1xi32> to vector<16xi32>
      %gather3A_158 = tpu.dynamic_gather %mul3A_102[%gather3A_157] in [0] : vector<16xi32>, vector<16xi32> -> vector<16xi32>
      %broadcast_in_dim3A_159 = arith.constant 12 : i32
      %broadcast_in_dim3A_160 = vector.broadcast %broadcast_in_dim3A_159 : i32 to vector<16x1xi32>
      %gather3A_161 = vector.shape_cast %broadcast_in_dim3A_160 : vector<16x1xi32> to vector<16xi32>
      %gather3A_162 = tpu.dynamic_gather %mul3A_102[%gather3A_161] in [0] : vector<16xi32>, vector<16xi32> -> vector<16xi32>
      %broadcast_in_dim3A_163 = arith.constant 13 : i32
      %broadcast_in_dim3A_164 = vector.broadcast %broadcast_in_dim3A_163 : i32 to vector<16x1xi32>
      %gather3A_165 = vector.shape_cast %broadcast_in_dim3A_164 : vector<16x1xi32> to vector<16xi32>
      %gather3A_166 = tpu.dynamic_gather %mul3A_102[%gather3A_165] in [0] : vector<16xi32>, vector<16xi32> -> vector<16xi32>
      %broadcast_in_dim3A_167 = arith.constant 14 : i32
      %broadcast_in_dim3A_168 = vector.broadcast %broadcast_in_dim3A_167 : i32 to vector<16x1xi32>
      %gather3A_169 = vector.shape_cast %broadcast_in_dim3A_168 : vector<16x1xi32> to vector<16xi32>
      %gather3A_170 = tpu.dynamic_gather %mul3A_102[%gather3A_169] in [0] : vector<16xi32>, vector<16xi32> -> vector<16xi32>
      %broadcast_in_dim3A_171 = arith.constant 15 : i32
      %broadcast_in_dim3A_172 = vector.broadcast %broadcast_in_dim3A_171 : i32 to vector<16x1xi32>
      %gather3A_173 = vector.shape_cast %broadcast_in_dim3A_172 : vector<16x1xi32> to vector<16xi32>
      %gather3A_174 = tpu.dynamic_gather %mul3A_102[%gather3A_173] in [0] : vector<16xi32>, vector<16xi32> -> vector<16xi32>
      %broadcast_in_dim3A_175 = arith.constant 0 : i32
      %broadcast_in_dim3A_176 = vector.broadcast %broadcast_in_dim3A_175 : i32 to vector<16x1xi32>
      %gather3A_177 = vector.shape_cast %broadcast_in_dim3A_176 : vector<16x1xi32> to vector<16xi32>
      %gather3A_178 = tpu.dynamic_gather %mul3A_112[%gather3A_177] in [0] : vector<16xi32>, vector<16xi32> -> vector<16xi32>
      %broadcast_in_dim3A_179 = arith.constant 1 : i32
      %broadcast_in_dim3A_180 = vector.broadcast %broadcast_in_dim3A_179 : i32 to vector<16x1xi32>
      %gather3A_181 = vector.shape_cast %broadcast_in_dim3A_180 : vector<16x1xi32> to vector<16xi32>
      %gather3A_182 = tpu.dynamic_gather %mul3A_112[%gather3A_181] in [0] : vector<16xi32>, vector<16xi32> -> vector<16xi32>
      %broadcast_in_dim3A_183 = arith.constant 2 : i32
      %broadcast_in_dim3A_184 = vector.broadcast %broadcast_in_dim3A_183 : i32 to vector<16x1xi32>
      %gather3A_185 = vector.shape_cast %broadcast_in_dim3A_184 : vector<16x1xi32> to vector<16xi32>
      %gather3A_186 = tpu.dynamic_gather %mul3A_112[%gather3A_185] in [0] : vector<16xi32>, vector<16xi32> -> vector<16xi32>
      %broadcast_in_dim3A_187 = arith.constant 3 : i32
      %broadcast_in_dim3A_188 = vector.broadcast %broadcast_in_dim3A_187 : i32 to vector<16x1xi32>
      %gather3A_189 = vector.shape_cast %broadcast_in_dim3A_188 : vector<16x1xi32> to vector<16xi32>
      %gather3A_190 = tpu.dynamic_gather %mul3A_112[%gather3A_189] in [0] : vector<16xi32>, vector<16xi32> -> vector<16xi32>
      %broadcast_in_dim3A_191 = arith.constant 4 : i32
      %broadcast_in_dim3A_192 = vector.broadcast %broadcast_in_dim3A_191 : i32 to vector<16x1xi32>
      %gather3A_193 = vector.shape_cast %broadcast_in_dim3A_192 : vector<16x1xi32> to vector<16xi32>
      %gather3A_194 = tpu.dynamic_gather %mul3A_112[%gather3A_193] in [0] : vector<16xi32>, vector<16xi32> -> vector<16xi32>
      %broadcast_in_dim3A_195 = arith.constant 5 : i32
      %broadcast_in_dim3A_196 = vector.broadcast %broadcast_in_dim3A_195 : i32 to vector<16x1xi32>
      %gather3A_197 = vector.shape_cast %broadcast_in_dim3A_196 : vector<16x1xi32> to vector<16xi32>
      %gather3A_198 = tpu.dynamic_gather %mul3A_112[%gather3A_197] in [0] : vector<16xi32>, vector<16xi32> -> vector<16xi32>
      %broadcast_in_dim3A_199 = arith.constant 6 : i32
      %broadcast_in_dim3A_200 = vector.broadcast %broadcast_in_dim3A_199 : i32 to vector<16x1xi32>
      %gather3A_201 = vector.shape_cast %broadcast_in_dim3A_200 : vector<16x1xi32> to vector<16xi32>
      %gather3A_202 = tpu.dynamic_gather %mul3A_112[%gather3A_201] in [0] : vector<16xi32>, vector<16xi32> -> vector<16xi32>
      %broadcast_in_dim3A_203 = arith.constant 7 : i32
      %broadcast_in_dim3A_204 = vector.broadcast %broadcast_in_dim3A_203 : i32 to vector<16x1xi32>
      %gather3A_205 = vector.shape_cast %broadcast_in_dim3A_204 : vector<16x1xi32> to vector<16xi32>
      %gather3A_206 = tpu.dynamic_gather %mul3A_112[%gather3A_205] in [0] : vector<16xi32>, vector<16xi32> -> vector<16xi32>
      %broadcast_in_dim3A_207 = arith.constant 8 : i32
      %broadcast_in_dim3A_208 = vector.broadcast %broadcast_in_dim3A_207 : i32 to vector<16x1xi32>
      %gather3A_209 = vector.shape_cast %broadcast_in_dim3A_208 : vector<16x1xi32> to vector<16xi32>
      %gather3A_210 = tpu.dynamic_gather %mul3A_112[%gather3A_209] in [0] : vector<16xi32>, vector<16xi32> -> vector<16xi32>
      %broadcast_in_dim3A_211 = arith.constant 9 : i32
      %broadcast_in_dim3A_212 = vector.broadcast %broadcast_in_dim3A_211 : i32 to vector<16x1xi32>
      %gather3A_213 = vector.shape_cast %broadcast_in_dim3A_212 : vector<16x1xi32> to vector<16xi32>
      %gather3A_214 = tpu.dynamic_gather %mul3A_112[%gather3A_213] in [0] : vector<16xi32>, vector<16xi32> -> vector<16xi32>
      %broadcast_in_dim3A_215 = arith.constant 10 : i32
      %broadcast_in_dim3A_216 = vector.broadcast %broadcast_in_dim3A_215 : i32 to vector<16x1xi32>
      %gather3A_217 = vector.shape_cast %broadcast_in_dim3A_216 : vector<16x1xi32> to vector<16xi32>
      %gather3A_218 = tpu.dynamic_gather %mul3A_112[%gather3A_217] in [0] : vector<16xi32>, vector<16xi32> -> vector<16xi32>
      %broadcast_in_dim3A_219 = arith.constant 11 : i32
      %broadcast_in_dim3A_220 = vector.broadcast %broadcast_in_dim3A_219 : i32 to vector<16x1xi32>
      %gather3A_221 = vector.shape_cast %broadcast_in_dim3A_220 : vector<16x1xi32> to vector<16xi32>
      %gather3A_222 = tpu.dynamic_gather %mul3A_112[%gather3A_221] in [0] : vector<16xi32>, vector<16xi32> -> vector<16xi32>
      %broadcast_in_dim3A_223 = arith.constant 12 : i32
      %broadcast_in_dim3A_224 = vector.broadcast %broadcast_in_dim3A_223 : i32 to vector<16x1xi32>
      %gather3A_225 = vector.shape_cast %broadcast_in_dim3A_224 : vector<16x1xi32> to vector<16xi32>
      %gather3A_226 = tpu.dynamic_gather %mul3A_112[%gather3A_225] in [0] : vector<16xi32>, vector<16xi32> -> vector<16xi32>
      %broadcast_in_dim3A_227 = arith.constant 13 : i32
      %broadcast_in_dim3A_228 = vector.broadcast %broadcast_in_dim3A_227 : i32 to vector<16x1xi32>
      %gather3A_229 = vector.shape_cast %broadcast_in_dim3A_228 : vector<16x1xi32> to vector<16xi32>
      %gather3A_230 = tpu.dynamic_gather %mul3A_112[%gather3A_229] in [0] : vector<16xi32>, vector<16xi32> -> vector<16xi32>
      %broadcast_in_dim3A_231 = arith.constant 14 : i32
      %broadcast_in_dim3A_232 = vector.broadcast %broadcast_in_dim3A_231 : i32 to vector<16x1xi32>
      %gather3A_233 = vector.shape_cast %broadcast_in_dim3A_232 : vector<16x1xi32> to vector<16xi32>
      %gather3A_234 = tpu.dynamic_gather %mul3A_112[%gather3A_233] in [0] : vector<16xi32>, vector<16xi32> -> vector<16xi32>
      %broadcast_in_dim3A_235 = arith.constant 15 : i32
      %broadcast_in_dim3A_236 = vector.broadcast %broadcast_in_dim3A_235 : i32 to vector<16x1xi32>
      %gather3A_237 = vector.shape_cast %broadcast_in_dim3A_236 : vector<16x1xi32> to vector<16xi32>
      %gather3A_238 = tpu.dynamic_gather %mul3A_112[%gather3A_237] in [0] : vector<16xi32>, vector<16xi32> -> vector<16xi32>
      %parallel_loop3A = arith.constant 0 : i32
      %parallel_loop3A_239 = arith.constant 64 : i32
      %parallel_loop3A_240 = arith.constant 1 : i32
      scf.for %parallel_loop3A_260 = %parallel_loop3A to %parallel_loop3A_239 step %parallel_loop3A_240  : i32 {
        %parallel_loop3A_261 = arith.constant 16 : i32
        %parallel_loop3A_262 = arith.muli %parallel_loop3A_260, %parallel_loop3A_261 : i32
        %parallel_loop3A_263 = vector.broadcast %parallel_loop3A_262 : i32 to vector<16xi32>
        %parallel_loop3A_264 = arith.addi %iota3A, %parallel_loop3A_263 : vector<16xi32>
        %parallel_loop3A_265 = arith.addi %gather3A_114, %parallel_loop3A_264 : vector<16xi32>
        %parallel_loop3A_266 = tpu.vector_load_idx %arg7[%parallel_loop3A_265] : memref<6144xf32, #tpu.memory_space<vmem>>[vector<16xi32>], vector<16xf32>,
        %parallel_loop3A_267 = arith.constant 16 : i32
        %parallel_loop3A_268 = arith.muli %parallel_loop3A_260, %parallel_loop3A_267 : i32
        %parallel_loop3A_269 = arith.constant 0 : i32
        %parallel_loop3A_270 = arith.index_cast %rem3A_66 : i32 to index
        %parallel_loop3A_271 = arith.index_cast %parallel_loop3A_269 : i32 to index
        %parallel_loop3A_272 = arith.index_cast %parallel_loop3A_268 : i32 to index
        %parallel_loop3A_273 = tpu.vector_load %arg8[%parallel_loop3A_270, %parallel_loop3A_271, %parallel_loop3A_272] {strides = array<i32>} : memref<3x32x1024xf32, #tpu.memory_space<vmem>>, vector<16xf32>,
        tpu.vector_store %arg8[%parallel_loop3A_270, %parallel_loop3A_271, %parallel_loop3A_272], %parallel_loop3A_266 {add = true, strides = array<i32>} : memref<3x32x1024xf32, #tpu.memory_space<vmem>>, vector<16xf32>,
        %parallel_loop3A_274 = arith.addi %gather3A_118, %parallel_loop3A_264 : vector<16xi32>
        %parallel_loop3A_275 = tpu.vector_load_idx %arg7[%parallel_loop3A_274] : memref<6144xf32, #tpu.memory_space<vmem>>[vector<16xi32>], vector<16xf32>,
        %parallel_loop3A_276 = arith.constant 16 : i32
        %parallel_loop3A_277 = arith.muli %parallel_loop3A_260, %parallel_loop3A_276 : i32
        %parallel_loop3A_278 = arith.constant 1 : i32
        %parallel_loop3A_279 = arith.index_cast %rem3A_66 : i32 to index
        %parallel_loop3A_280 = arith.index_cast %parallel_loop3A_278 : i32 to index
        %parallel_loop3A_281 = arith.index_cast %parallel_loop3A_277 : i32 to index
        %parallel_loop3A_282 = tpu.vector_load %arg8[%parallel_loop3A_279, %parallel_loop3A_280, %parallel_loop3A_281] {strides = array<i32>} : memref<3x32x1024xf32, #tpu.memory_space<vmem>>, vector<16xf32>,
        tpu.vector_store %arg8[%parallel_loop3A_279, %parallel_loop3A_280, %parallel_loop3A_281], %parallel_loop3A_275 {add = true, strides = array<i32>} : memref<3x32x1024xf32, #tpu.memory_space<vmem>>, vector<16xf32>,
        %parallel_loop3A_283 = arith.addi %gather3A_122, %parallel_loop3A_264 : vector<16xi32>
        %parallel_loop3A_284 = tpu.vector_load_idx %arg7[%parallel_loop3A_283] : memref<6144xf32, #tpu.memory_space<vmem>>[vector<16xi32>], vector<16xf32>,
        %parallel_loop3A_285 = arith.constant 16 : i32
        %parallel_loop3A_286 = arith.muli %parallel_loop3A_260, %parallel_loop3A_285 : i32
        %parallel_loop3A_287 = arith.constant 2 : i32
        %parallel_loop3A_288 = arith.index_cast %rem3A_66 : i32 to index
        %parallel_loop3A_289 = arith.index_cast %parallel_loop3A_287 : i32 to index
        %parallel_loop3A_290 = arith.index_cast %parallel_loop3A_286 : i32 to index
        %parallel_loop3A_291 = tpu.vector_load %arg8[%parallel_loop3A_288, %parallel_loop3A_289, %parallel_loop3A_290] {strides = array<i32>} : memref<3x32x1024xf32, #tpu.memory_space<vmem>>, vector<16xf32>,
        tpu.vector_store %arg8[%parallel_loop3A_288, %parallel_loop3A_289, %parallel_loop3A_290], %parallel_loop3A_284 {add = true, strides = array<i32>} : memref<3x32x1024xf32, #tpu.memory_space<vmem>>, vector<16xf32>,
        %parallel_loop3A_292 = arith.addi %gather3A_126, %parallel_loop3A_264 : vector<16xi32>
        %parallel_loop3A_293 = tpu.vector_load_idx %arg7[%parallel_loop3A_292] : memref<6144xf32, #tpu.memory_space<vmem>>[vector<16xi32>], vector<16xf32>,
        %parallel_loop3A_294 = arith.constant 16 : i32
        %parallel_loop3A_295 = arith.muli %parallel_loop3A_260, %parallel_loop3A_294 : i32
        %parallel_loop3A_296 = arith.constant 3 : i32
        %parallel_loop3A_297 = arith.index_cast %rem3A_66 : i32 to index
        %parallel_loop3A_298 = arith.index_cast %parallel_loop3A_296 : i32 to index
        %parallel_loop3A_299 = arith.index_cast %parallel_loop3A_295 : i32 to index
        %parallel_loop3A_300 = tpu.vector_load %arg8[%parallel_loop3A_297, %parallel_loop3A_298, %parallel_loop3A_299] {strides = array<i32>} : memref<3x32x1024xf32, #tpu.memory_space<vmem>>, vector<16xf32>,
        tpu.vector_store %arg8[%parallel_loop3A_297, %parallel_loop3A_298, %parallel_loop3A_299], %parallel_loop3A_293 {add = true, strides = array<i32>} : memref<3x32x1024xf32, #tpu.memory_space<vmem>>, vector<16xf32>,
        %parallel_loop3A_301 = arith.addi %gather3A_130, %parallel_loop3A_264 : vector<16xi32>
        %parallel_loop3A_302 = tpu.vector_load_idx %arg7[%parallel_loop3A_301] : memref<6144xf32, #tpu.memory_space<vmem>>[vector<16xi32>], vector<16xf32>,
        %parallel_loop3A_303 = arith.constant 16 : i32
        %parallel_loop3A_304 = arith.muli %parallel_loop3A_260, %parallel_loop3A_303 : i32
        %parallel_loop3A_305 = arith.constant 4 : i32
        %parallel_loop3A_306 = arith.index_cast %rem3A_66 : i32 to index
        %parallel_loop3A_307 = arith.index_cast %parallel_loop3A_305 : i32 to index
        %parallel_loop3A_308 = arith.index_cast %parallel_loop3A_304 : i32 to index
        %parallel_loop3A_309 = tpu.vector_load %arg8[%parallel_loop3A_306, %parallel_loop3A_307, %parallel_loop3A_308] {strides = array<i32>} : memref<3x32x1024xf32, #tpu.memory_space<vmem>>, vector<16xf32>,
        tpu.vector_store %arg8[%parallel_loop3A_306, %parallel_loop3A_307, %parallel_loop3A_308], %parallel_loop3A_302 {add = true, strides = array<i32>} : memref<3x32x1024xf32, #tpu.memory_space<vmem>>, vector<16xf32>,
        %parallel_loop3A_310 = arith.addi %gather3A_134, %parallel_loop3A_264 : vector<16xi32>
        %parallel_loop3A_311 = tpu.vector_load_idx %arg7[%parallel_loop3A_310] : memref<6144xf32, #tpu.memory_space<vmem>>[vector<16xi32>], vector<16xf32>,
        %parallel_loop3A_312 = arith.constant 16 : i32
        %parallel_loop3A_313 = arith.muli %parallel_loop3A_260, %parallel_loop3A_312 : i32
        %parallel_loop3A_314 = arith.constant 5 : i32
        %parallel_loop3A_315 = arith.index_cast %rem3A_66 : i32 to index
        %parallel_loop3A_316 = arith.index_cast %parallel_loop3A_314 : i32 to index
        %parallel_loop3A_317 = arith.index_cast %parallel_loop3A_313 : i32 to index
        %parallel_loop3A_318 = tpu.vector_load %arg8[%parallel_loop3A_315, %parallel_loop3A_316, %parallel_loop3A_317] {strides = array<i32>} : memref<3x32x1024xf32, #tpu.memory_space<vmem>>, vector<16xf32>,
        tpu.vector_store %arg8[%parallel_loop3A_315, %parallel_loop3A_316, %parallel_loop3A_317], %parallel_loop3A_311 {add = true, strides = array<i32>} : memref<3x32x1024xf32, #tpu.memory_space<vmem>>, vector<16xf32>,
        %parallel_loop3A_319 = arith.addi %gather3A_138, %parallel_loop3A_264 : vector<16xi32>
        %parallel_loop3A_320 = tpu.vector_load_idx %arg7[%parallel_loop3A_319] : memref<6144xf32, #tpu.memory_space<vmem>>[vector<16xi32>], vector<16xf32>,
        %parallel_loop3A_321 = arith.constant 16 : i32
        %parallel_loop3A_322 = arith.muli %parallel_loop3A_260, %parallel_loop3A_321 : i32
        %parallel_loop3A_323 = arith.constant 6 : i32
        %parallel_loop3A_324 = arith.index_cast %rem3A_66 : i32 to index
        %parallel_loop3A_325 = arith.index_cast %parallel_loop3A_323 : i32 to index
        %parallel_loop3A_326 = arith.index_cast %parallel_loop3A_322 : i32 to index
        %parallel_loop3A_327 = tpu.vector_load %arg8[%parallel_loop3A_324, %parallel_loop3A_325, %parallel_loop3A_326] {strides = array<i32>} : memref<3x32x1024xf32, #tpu.memory_space<vmem>>, vector<16xf32>,
        tpu.vector_store %arg8[%parallel_loop3A_324, %parallel_loop3A_325, %parallel_loop3A_326], %parallel_loop3A_320 {add = true, strides = array<i32>} : memref<3x32x1024xf32, #tpu.memory_space<vmem>>, vector<16xf32>,
        %parallel_loop3A_328 = arith.addi %gather3A_142, %parallel_loop3A_264 : vector<16xi32>
        %parallel_loop3A_329 = tpu.vector_load_idx %arg7[%parallel_loop3A_328] : memref<6144xf32, #tpu.memory_space<vmem>>[vector<16xi32>], vector<16xf32>,
        %parallel_loop3A_330 = arith.constant 16 : i32
        %parallel_loop3A_331 = arith.muli %parallel_loop3A_260, %parallel_loop3A_330 : i32
        %parallel_loop3A_332 = arith.constant 7 : i32
        %parallel_loop3A_333 = arith.index_cast %rem3A_66 : i32 to index
        %parallel_loop3A_334 = arith.index_cast %parallel_loop3A_332 : i32 to index
        %parallel_loop3A_335 = arith.index_cast %parallel_loop3A_331 : i32 to index
        %parallel_loop3A_336 = tpu.vector_load %arg8[%parallel_loop3A_333, %parallel_loop3A_334, %parallel_loop3A_335] {strides = array<i32>} : memref<3x32x1024xf32, #tpu.memory_space<vmem>>, vector<16xf32>,
        tpu.vector_store %arg8[%parallel_loop3A_333, %parallel_loop3A_334, %parallel_loop3A_335], %parallel_loop3A_329 {add = true, strides = array<i32>} : memref<3x32x1024xf32, #tpu.memory_space<vmem>>, vector<16xf32>,
        %parallel_loop3A_337 = arith.addi %gather3A_146, %parallel_loop3A_264 : vector<16xi32>
        %parallel_loop3A_338 = tpu.vector_load_idx %arg7[%parallel_loop3A_337] : memref<6144xf32, #tpu.memory_space<vmem>>[vector<16xi32>], vector<16xf32>,
        %parallel_loop3A_339 = arith.constant 16 : i32
        %parallel_loop3A_340 = arith.muli %parallel_loop3A_260, %parallel_loop3A_339 : i32
        %parallel_loop3A_341 = arith.constant 8 : i32
        %parallel_loop3A_342 = arith.index_cast %rem3A_66 : i32 to index
        %parallel_loop3A_343 = arith.index_cast %parallel_loop3A_341 : i32 to index
        %parallel_loop3A_344 = arith.index_cast %parallel_loop3A_340 : i32 to index
        %parallel_loop3A_345 = tpu.vector_load %arg8[%parallel_loop3A_342, %parallel_loop3A_343, %parallel_loop3A_344] {strides = array<i32>} : memref<3x32x1024xf32, #tpu.memory_space<vmem>>, vector<16xf32>,
        tpu.vector_store %arg8[%parallel_loop3A_342, %parallel_loop3A_343, %parallel_loop3A_344], %parallel_loop3A_338 {add = true, strides = array<i32>} : memref<3x32x1024xf32, #tpu.memory_space<vmem>>, vector<16xf32>,
        %parallel_loop3A_346 = arith.addi %gather3A_150, %parallel_loop3A_264 : vector<16xi32>
        %parallel_loop3A_347 = tpu.vector_load_idx %arg7[%parallel_loop3A_346] : memref<6144xf32, #tpu.memory_space<vmem>>[vector<16xi32>], vector<16xf32>,
        %parallel_loop3A_348 = arith.constant 16 : i32
        %parallel_loop3A_349 = arith.muli %parallel_loop3A_260, %parallel_loop3A_348 : i32
        %parallel_loop3A_350 = arith.constant 9 : i32
        %parallel_loop3A_351 = arith.index_cast %rem3A_66 : i32 to index
        %parallel_loop3A_352 = arith.index_cast %parallel_loop3A_350 : i32 to index
        %parallel_loop3A_353 = arith.index_cast %parallel_loop3A_349 : i32 to index
        %parallel_loop3A_354 = tpu.vector_load %arg8[%parallel_loop3A_351, %parallel_loop3A_352, %parallel_loop3A_353] {strides = array<i32>} : memref<3x32x1024xf32, #tpu.memory_space<vmem>>, vector<16xf32>,
        tpu.vector_store %arg8[%parallel_loop3A_351, %parallel_loop3A_352, %parallel_loop3A_353], %parallel_loop3A_347 {add = true, strides = array<i32>} : memref<3x32x1024xf32, #tpu.memory_space<vmem>>, vector<16xf32>,
        %parallel_loop3A_355 = arith.addi %gather3A_154, %parallel_loop3A_264 : vector<16xi32>
        %parallel_loop3A_356 = tpu.vector_load_idx %arg7[%parallel_loop3A_355] : memref<6144xf32, #tpu.memory_space<vmem>>[vector<16xi32>], vector<16xf32>,
        %parallel_loop3A_357 = arith.constant 16 : i32
        %parallel_loop3A_358 = arith.muli %parallel_loop3A_260, %parallel_loop3A_357 : i32
        %parallel_loop3A_359 = arith.constant 10 : i32
        %parallel_loop3A_360 = arith.index_cast %rem3A_66 : i32 to index
        %parallel_loop3A_361 = arith.index_cast %parallel_loop3A_359 : i32 to index
        %parallel_loop3A_362 = arith.index_cast %parallel_loop3A_358 : i32 to index
        %parallel_loop3A_363 = tpu.vector_load %arg8[%parallel_loop3A_360, %parallel_loop3A_361, %parallel_loop3A_362] {strides = array<i32>} : memref<3x32x1024xf32, #tpu.memory_space<vmem>>, vector<16xf32>,
        tpu.vector_store %arg8[%parallel_loop3A_360, %parallel_loop3A_361, %parallel_loop3A_362], %parallel_loop3A_356 {add = true, strides = array<i32>} : memref<3x32x1024xf32, #tpu.memory_space<vmem>>, vector<16xf32>,
        %parallel_loop3A_364 = arith.addi %gather3A_158, %parallel_loop3A_264 : vector<16xi32>
        %parallel_loop3A_365 = tpu.vector_load_idx %arg7[%parallel_loop3A_364] : memref<6144xf32, #tpu.memory_space<vmem>>[vector<16xi32>], vector<16xf32>,
        %parallel_loop3A_366 = arith.constant 16 : i32
        %parallel_loop3A_367 = arith.muli %parallel_loop3A_260, %parallel_loop3A_366 : i32
        %parallel_loop3A_368 = arith.constant 11 : i32
        %parallel_loop3A_369 = arith.index_cast %rem3A_66 : i32 to index
        %parallel_loop3A_370 = arith.index_cast %parallel_loop3A_368 : i32 to index
        %parallel_loop3A_371 = arith.index_cast %parallel_loop3A_367 : i32 to index
        %parallel_loop3A_372 = tpu.vector_load %arg8[%parallel_loop3A_369, %parallel_loop3A_370, %parallel_loop3A_371] {strides = array<i32>} : memref<3x32x1024xf32, #tpu.memory_space<vmem>>, vector<16xf32>,
        tpu.vector_store %arg8[%parallel_loop3A_369, %parallel_loop3A_370, %parallel_loop3A_371], %parallel_loop3A_365 {add = true, strides = array<i32>} : memref<3x32x1024xf32, #tpu.memory_space<vmem>>, vector<16xf32>,
        %parallel_loop3A_373 = arith.addi %gather3A_162, %parallel_loop3A_264 : vector<16xi32>
        %parallel_loop3A_374 = tpu.vector_load_idx %arg7[%parallel_loop3A_373] : memref<6144xf32, #tpu.memory_space<vmem>>[vector<16xi32>], vector<16xf32>,
        %parallel_loop3A_375 = arith.constant 16 : i32
        %parallel_loop3A_376 = arith.muli %parallel_loop3A_260, %parallel_loop3A_375 : i32
        %parallel_loop3A_377 = arith.constant 12 : i32
        %parallel_loop3A_378 = arith.index_cast %rem3A_66 : i32 to index
        %parallel_loop3A_379 = arith.index_cast %parallel_loop3A_377 : i32 to index
        %parallel_loop3A_380 = arith.index_cast %parallel_loop3A_376 : i32 to index
        %parallel_loop3A_381 = tpu.vector_load %arg8[%parallel_loop3A_378, %parallel_loop3A_379, %parallel_loop3A_380] {strides = array<i32>} : memref<3x32x1024xf32, #tpu.memory_space<vmem>>, vector<16xf32>,
        tpu.vector_store %arg8[%parallel_loop3A_378, %parallel_loop3A_379, %parallel_loop3A_380], %parallel_loop3A_374 {add = true, strides = array<i32>} : memref<3x32x1024xf32, #tpu.memory_space<vmem>>, vector<16xf32>,
        %parallel_loop3A_382 = arith.addi %gather3A_166, %parallel_loop3A_264 : vector<16xi32>
        %parallel_loop3A_383 = tpu.vector_load_idx %arg7[%parallel_loop3A_382] : memref<6144xf32, #tpu.memory_space<vmem>>[vector<16xi32>], vector<16xf32>,
        %parallel_loop3A_384 = arith.constant 16 : i32
        %parallel_loop3A_385 = arith.muli %parallel_loop3A_260, %parallel_loop3A_384 : i32
        %parallel_loop3A_386 = arith.constant 13 : i32
        %parallel_loop3A_387 = arith.index_cast %rem3A_66 : i32 to index
        %parallel_loop3A_388 = arith.index_cast %parallel_loop3A_386 : i32 to index
        %parallel_loop3A_389 = arith.index_cast %parallel_loop3A_385 : i32 to index
        %parallel_loop3A_390 = tpu.vector_load %arg8[%parallel_loop3A_387, %parallel_loop3A_388, %parallel_loop3A_389] {strides = array<i32>} : memref<3x32x1024xf32, #tpu.memory_space<vmem>>, vector<16xf32>,
        tpu.vector_store %arg8[%parallel_loop3A_387, %parallel_loop3A_388, %parallel_loop3A_389], %parallel_loop3A_383 {add = true, strides = array<i32>} : memref<3x32x1024xf32, #tpu.memory_space<vmem>>, vector<16xf32>,
        %parallel_loop3A_391 = arith.addi %gather3A_170, %parallel_loop3A_264 : vector<16xi32>
        %parallel_loop3A_392 = tpu.vector_load_idx %arg7[%parallel_loop3A_391] : memref<6144xf32, #tpu.memory_space<vmem>>[vector<16xi32>], vector<16xf32>,
        %parallel_loop3A_393 = arith.constant 16 : i32
        %parallel_loop3A_394 = arith.muli %parallel_loop3A_260, %parallel_loop3A_393 : i32
        %parallel_loop3A_395 = arith.constant 14 : i32
        %parallel_loop3A_396 = arith.index_cast %rem3A_66 : i32 to index
        %parallel_loop3A_397 = arith.index_cast %parallel_loop3A_395 : i32 to index
        %parallel_loop3A_398 = arith.index_cast %parallel_loop3A_394 : i32 to index
        %parallel_loop3A_399 = tpu.vector_load %arg8[%parallel_loop3A_396, %parallel_loop3A_397, %parallel_loop3A_398] {strides = array<i32>} : memref<3x32x1024xf32, #tpu.memory_space<vmem>>, vector<16xf32>,
        tpu.vector_store %arg8[%parallel_loop3A_396, %parallel_loop3A_397, %parallel_loop3A_398], %parallel_loop3A_392 {add = true, strides = array<i32>} : memref<3x32x1024xf32, #tpu.memory_space<vmem>>, vector<16xf32>,
        %parallel_loop3A_400 = arith.addi %gather3A_174, %parallel_loop3A_264 : vector<16xi32>
        %parallel_loop3A_401 = tpu.vector_load_idx %arg7[%parallel_loop3A_400] : memref<6144xf32, #tpu.memory_space<vmem>>[vector<16xi32>], vector<16xf32>,
        %parallel_loop3A_402 = arith.constant 16 : i32
        %parallel_loop3A_403 = arith.muli %parallel_loop3A_260, %parallel_loop3A_402 : i32
        %parallel_loop3A_404 = arith.constant 15 : i32
        %parallel_loop3A_405 = arith.index_cast %rem3A_66 : i32 to index
        %parallel_loop3A_406 = arith.index_cast %parallel_loop3A_404 : i32 to index
        %parallel_loop3A_407 = arith.index_cast %parallel_loop3A_403 : i32 to index
        %parallel_loop3A_408 = tpu.vector_load %arg8[%parallel_loop3A_405, %parallel_loop3A_406, %parallel_loop3A_407] {strides = array<i32>} : memref<3x32x1024xf32, #tpu.memory_space<vmem>>, vector<16xf32>,
        tpu.vector_store %arg8[%parallel_loop3A_405, %parallel_loop3A_406, %parallel_loop3A_407], %parallel_loop3A_401 {add = true, strides = array<i32>} : memref<3x32x1024xf32, #tpu.memory_space<vmem>>, vector<16xf32>,
        %parallel_loop3A_409 = arith.addi %gather3A_178, %parallel_loop3A_264 : vector<16xi32>
        %parallel_loop3A_410 = tpu.vector_load_idx %arg7[%parallel_loop3A_409] : memref<6144xf32, #tpu.memory_space<vmem>>[vector<16xi32>], vector<16xf32>,
        %parallel_loop3A_411 = arith.constant 16 : i32
        %parallel_loop3A_412 = arith.muli %parallel_loop3A_260, %parallel_loop3A_411 : i32
        %parallel_loop3A_413 = arith.constant 16 : i32
        %parallel_loop3A_414 = arith.index_cast %rem3A_66 : i32 to index
        %parallel_loop3A_415 = arith.index_cast %parallel_loop3A_413 : i32 to index
        %parallel_loop3A_416 = arith.index_cast %parallel_loop3A_412 : i32 to index
        %parallel_loop3A_417 = tpu.vector_load %arg8[%parallel_loop3A_414, %parallel_loop3A_415, %parallel_loop3A_416] {strides = array<i32>} : memref<3x32x1024xf32, #tpu.memory_space<vmem>>, vector<16xf32>,
        tpu.vector_store %arg8[%parallel_loop3A_414, %parallel_loop3A_415, %parallel_loop3A_416], %parallel_loop3A_410 {add = true, strides = array<i32>} : memref<3x32x1024xf32, #tpu.memory_space<vmem>>, vector<16xf32>,
        %parallel_loop3A_418 = arith.addi %gather3A_182, %parallel_loop3A_264 : vector<16xi32>
        %parallel_loop3A_419 = tpu.vector_load_idx %arg7[%parallel_loop3A_418] : memref<6144xf32, #tpu.memory_space<vmem>>[vector<16xi32>], vector<16xf32>,
        %parallel_loop3A_420 = arith.constant 16 : i32
        %parallel_loop3A_421 = arith.muli %parallel_loop3A_260, %parallel_loop3A_420 : i32
        %parallel_loop3A_422 = arith.constant 17 : i32
        %parallel_loop3A_423 = arith.index_cast %rem3A_66 : i32 to index
        %parallel_loop3A_424 = arith.index_cast %parallel_loop3A_422 : i32 to index
        %parallel_loop3A_425 = arith.index_cast %parallel_loop3A_421 : i32 to index
        %parallel_loop3A_426 = tpu.vector_load %arg8[%parallel_loop3A_423, %parallel_loop3A_424, %parallel_loop3A_425] {strides = array<i32>} : memref<3x32x1024xf32, #tpu.memory_space<vmem>>, vector<16xf32>,
        tpu.vector_store %arg8[%parallel_loop3A_423, %parallel_loop3A_424, %parallel_loop3A_425], %parallel_loop3A_419 {add = true, strides = array<i32>} : memref<3x32x1024xf32, #tpu.memory_space<vmem>>, vector<16xf32>,
        %parallel_loop3A_427 = arith.addi %gather3A_186, %parallel_loop3A_264 : vector<16xi32>
        %parallel_loop3A_428 = tpu.vector_load_idx %arg7[%parallel_loop3A_427] : memref<6144xf32, #tpu.memory_space<vmem>>[vector<16xi32>], vector<16xf32>,
        %parallel_loop3A_429 = arith.constant 16 : i32
        %parallel_loop3A_430 = arith.muli %parallel_loop3A_260, %parallel_loop3A_429 : i32
        %parallel_loop3A_431 = arith.constant 18 : i32
        %parallel_loop3A_432 = arith.index_cast %rem3A_66 : i32 to index
        %parallel_loop3A_433 = arith.index_cast %parallel_loop3A_431 : i32 to index
        %parallel_loop3A_434 = arith.index_cast %parallel_loop3A_430 : i32 to index
        %parallel_loop3A_435 = tpu.vector_load %arg8[%parallel_loop3A_432, %parallel_loop3A_433, %parallel_loop3A_434] {strides = array<i32>} : memref<3x32x1024xf32, #tpu.memory_space<vmem>>, vector<16xf32>,
        tpu.vector_store %arg8[%parallel_loop3A_432, %parallel_loop3A_433, %parallel_loop3A_434], %parallel_loop3A_428 {add = true, strides = array<i32>} : memref<3x32x1024xf32, #tpu.memory_space<vmem>>, vector<16xf32>,
        %parallel_loop3A_436 = arith.addi %gather3A_190, %parallel_loop3A_264 : vector<16xi32>
        %parallel_loop3A_437 = tpu.vector_load_idx %arg7[%parallel_loop3A_436] : memref<6144xf32, #tpu.memory_space<vmem>>[vector<16xi32>], vector<16xf32>,
        %parallel_loop3A_438 = arith.constant 16 : i32
        %parallel_loop3A_439 = arith.muli %parallel_loop3A_260, %parallel_loop3A_438 : i32
        %parallel_loop3A_440 = arith.constant 19 : i32
        %parallel_loop3A_441 = arith.index_cast %rem3A_66 : i32 to index
        %parallel_loop3A_442 = arith.index_cast %parallel_loop3A_440 : i32 to index
        %parallel_loop3A_443 = arith.index_cast %parallel_loop3A_439 : i32 to index
        %parallel_loop3A_444 = tpu.vector_load %arg8[%parallel_loop3A_441, %parallel_loop3A_442, %parallel_loop3A_443] {strides = array<i32>} : memref<3x32x1024xf32, #tpu.memory_space<vmem>>, vector<16xf32>,
        tpu.vector_store %arg8[%parallel_loop3A_441, %parallel_loop3A_442, %parallel_loop3A_443], %parallel_loop3A_437 {add = true, strides = array<i32>} : memref<3x32x1024xf32, #tpu.memory_space<vmem>>, vector<16xf32>,
        %parallel_loop3A_445 = arith.addi %gather3A_194, %parallel_loop3A_264 : vector<16xi32>
        %parallel_loop3A_446 = tpu.vector_load_idx %arg7[%parallel_loop3A_445] : memref<6144xf32, #tpu.memory_space<vmem>>[vector<16xi32>], vector<16xf32>,
        %parallel_loop3A_447 = arith.constant 16 : i32
        %parallel_loop3A_448 = arith.muli %parallel_loop3A_260, %parallel_loop3A_447 : i32
        %parallel_loop3A_449 = arith.constant 20 : i32
        %parallel_loop3A_450 = arith.index_cast %rem3A_66 : i32 to index
        %parallel_loop3A_451 = arith.index_cast %parallel_loop3A_449 : i32 to index
        %parallel_loop3A_452 = arith.index_cast %parallel_loop3A_448 : i32 to index
        %parallel_loop3A_453 = tpu.vector_load %arg8[%parallel_loop3A_450, %parallel_loop3A_451, %parallel_loop3A_452] {strides = array<i32>} : memref<3x32x1024xf32, #tpu.memory_space<vmem>>, vector<16xf32>,
        tpu.vector_store %arg8[%parallel_loop3A_450, %parallel_loop3A_451, %parallel_loop3A_452], %parallel_loop3A_446 {add = true, strides = array<i32>} : memref<3x32x1024xf32, #tpu.memory_space<vmem>>, vector<16xf32>,
        %parallel_loop3A_454 = arith.addi %gather3A_198, %parallel_loop3A_264 : vector<16xi32>
        %parallel_loop3A_455 = tpu.vector_load_idx %arg7[%parallel_loop3A_454] : memref<6144xf32, #tpu.memory_space<vmem>>[vector<16xi32>], vector<16xf32>,
        %parallel_loop3A_456 = arith.constant 16 : i32
        %parallel_loop3A_457 = arith.muli %parallel_loop3A_260, %parallel_loop3A_456 : i32
        %parallel_loop3A_458 = arith.constant 21 : i32
        %parallel_loop3A_459 = arith.index_cast %rem3A_66 : i32 to index
        %parallel_loop3A_460 = arith.index_cast %parallel_loop3A_458 : i32 to index
        %parallel_loop3A_461 = arith.index_cast %parallel_loop3A_457 : i32 to index
        %parallel_loop3A_462 = tpu.vector_load %arg8[%parallel_loop3A_459, %parallel_loop3A_460, %parallel_loop3A_461] {strides = array<i32>} : memref<3x32x1024xf32, #tpu.memory_space<vmem>>, vector<16xf32>,
        tpu.vector_store %arg8[%parallel_loop3A_459, %parallel_loop3A_460, %parallel_loop3A_461], %parallel_loop3A_455 {add = true, strides = array<i32>} : memref<3x32x1024xf32, #tpu.memory_space<vmem>>, vector<16xf32>,
        %parallel_loop3A_463 = arith.addi %gather3A_202, %parallel_loop3A_264 : vector<16xi32>
        %parallel_loop3A_464 = tpu.vector_load_idx %arg7[%parallel_loop3A_463] : memref<6144xf32, #tpu.memory_space<vmem>>[vector<16xi32>], vector<16xf32>,
        %parallel_loop3A_465 = arith.constant 16 : i32
        %parallel_loop3A_466 = arith.muli %parallel_loop3A_260, %parallel_loop3A_465 : i32
        %parallel_loop3A_467 = arith.constant 22 : i32
        %parallel_loop3A_468 = arith.index_cast %rem3A_66 : i32 to index
        %parallel_loop3A_469 = arith.index_cast %parallel_loop3A_467 : i32 to index
        %parallel_loop3A_470 = arith.index_cast %parallel_loop3A_466 : i32 to index
        %parallel_loop3A_471 = tpu.vector_load %arg8[%parallel_loop3A_468, %parallel_loop3A_469, %parallel_loop3A_470] {strides = array<i32>} : memref<3x32x1024xf32, #tpu.memory_space<vmem>>, vector<16xf32>,
        tpu.vector_store %arg8[%parallel_loop3A_468, %parallel_loop3A_469, %parallel_loop3A_470], %parallel_loop3A_464 {add = true, strides = array<i32>} : memref<3x32x1024xf32, #tpu.memory_space<vmem>>, vector<16xf32>,
        %parallel_loop3A_472 = arith.addi %gather3A_206, %parallel_loop3A_264 : vector<16xi32>
        %parallel_loop3A_473 = tpu.vector_load_idx %arg7[%parallel_loop3A_472] : memref<6144xf32, #tpu.memory_space<vmem>>[vector<16xi32>], vector<16xf32>,
        %parallel_loop3A_474 = arith.constant 16 : i32
        %parallel_loop3A_475 = arith.muli %parallel_loop3A_260, %parallel_loop3A_474 : i32
        %parallel_loop3A_476 = arith.constant 23 : i32
        %parallel_loop3A_477 = arith.index_cast %rem3A_66 : i32 to index
        %parallel_loop3A_478 = arith.index_cast %parallel_loop3A_476 : i32 to index
        %parallel_loop3A_479 = arith.index_cast %parallel_loop3A_475 : i32 to index
        %parallel_loop3A_480 = tpu.vector_load %arg8[%parallel_loop3A_477, %parallel_loop3A_478, %parallel_loop3A_479] {strides = array<i32>} : memref<3x32x1024xf32, #tpu.memory_space<vmem>>, vector<16xf32>,
        tpu.vector_store %arg8[%parallel_loop3A_477, %parallel_loop3A_478, %parallel_loop3A_479], %parallel_loop3A_473 {add = true, strides = array<i32>} : memref<3x32x1024xf32, #tpu.memory_space<vmem>>, vector<16xf32>,
        %parallel_loop3A_481 = arith.addi %gather3A_210, %parallel_loop3A_264 : vector<16xi32>
        %parallel_loop3A_482 = tpu.vector_load_idx %arg7[%parallel_loop3A_481] : memref<6144xf32, #tpu.memory_space<vmem>>[vector<16xi32>], vector<16xf32>,
        %parallel_loop3A_483 = arith.constant 16 : i32
        %parallel_loop3A_484 = arith.muli %parallel_loop3A_260, %parallel_loop3A_483 : i32
        %parallel_loop3A_485 = arith.constant 24 : i32
        %parallel_loop3A_486 = arith.index_cast %rem3A_66 : i32 to index
        %parallel_loop3A_487 = arith.index_cast %parallel_loop3A_485 : i32 to index
        %parallel_loop3A_488 = arith.index_cast %parallel_loop3A_484 : i32 to index
        %parallel_loop3A_489 = tpu.vector_load %arg8[%parallel_loop3A_486, %parallel_loop3A_487, %parallel_loop3A_488] {strides = array<i32>} : memref<3x32x1024xf32, #tpu.memory_space<vmem>>, vector<16xf32>,
        tpu.vector_store %arg8[%parallel_loop3A_486, %parallel_loop3A_487, %parallel_loop3A_488], %parallel_loop3A_482 {add = true, strides = array<i32>} : memref<3x32x1024xf32, #tpu.memory_space<vmem>>, vector<16xf32>,
        %parallel_loop3A_490 = arith.addi %gather3A_214, %parallel_loop3A_264 : vector<16xi32>
        %parallel_loop3A_491 = tpu.vector_load_idx %arg7[%parallel_loop3A_490] : memref<6144xf32, #tpu.memory_space<vmem>>[vector<16xi32>], vector<16xf32>,
        %parallel_loop3A_492 = arith.constant 16 : i32
        %parallel_loop3A_493 = arith.muli %parallel_loop3A_260, %parallel_loop3A_492 : i32
        %parallel_loop3A_494 = arith.constant 25 : i32
        %parallel_loop3A_495 = arith.index_cast %rem3A_66 : i32 to index
        %parallel_loop3A_496 = arith.index_cast %parallel_loop3A_494 : i32 to index
        %parallel_loop3A_497 = arith.index_cast %parallel_loop3A_493 : i32 to index
        %parallel_loop3A_498 = tpu.vector_load %arg8[%parallel_loop3A_495, %parallel_loop3A_496, %parallel_loop3A_497] {strides = array<i32>} : memref<3x32x1024xf32, #tpu.memory_space<vmem>>, vector<16xf32>,
        tpu.vector_store %arg8[%parallel_loop3A_495, %parallel_loop3A_496, %parallel_loop3A_497], %parallel_loop3A_491 {add = true, strides = array<i32>} : memref<3x32x1024xf32, #tpu.memory_space<vmem>>, vector<16xf32>,
        %parallel_loop3A_499 = arith.addi %gather3A_218, %parallel_loop3A_264 : vector<16xi32>
        %parallel_loop3A_500 = tpu.vector_load_idx %arg7[%parallel_loop3A_499] : memref<6144xf32, #tpu.memory_space<vmem>>[vector<16xi32>], vector<16xf32>,
        %parallel_loop3A_501 = arith.constant 16 : i32
        %parallel_loop3A_502 = arith.muli %parallel_loop3A_260, %parallel_loop3A_501 : i32
        %parallel_loop3A_503 = arith.constant 26 : i32
        %parallel_loop3A_504 = arith.index_cast %rem3A_66 : i32 to index
        %parallel_loop3A_505 = arith.index_cast %parallel_loop3A_503 : i32 to index
        %parallel_loop3A_506 = arith.index_cast %parallel_loop3A_502 : i32 to index
        %parallel_loop3A_507 = tpu.vector_load %arg8[%parallel_loop3A_504, %parallel_loop3A_505, %parallel_loop3A_506] {strides = array<i32>} : memref<3x32x1024xf32, #tpu.memory_space<vmem>>, vector<16xf32>,
        tpu.vector_store %arg8[%parallel_loop3A_504, %parallel_loop3A_505, %parallel_loop3A_506], %parallel_loop3A_500 {add = true, strides = array<i32>} : memref<3x32x1024xf32, #tpu.memory_space<vmem>>, vector<16xf32>,
        %parallel_loop3A_508 = arith.addi %gather3A_222, %parallel_loop3A_264 : vector<16xi32>
        %parallel_loop3A_509 = tpu.vector_load_idx %arg7[%parallel_loop3A_508] : memref<6144xf32, #tpu.memory_space<vmem>>[vector<16xi32>], vector<16xf32>,
        %parallel_loop3A_510 = arith.constant 16 : i32
        %parallel_loop3A_511 = arith.muli %parallel_loop3A_260, %parallel_loop3A_510 : i32
        %parallel_loop3A_512 = arith.constant 27 : i32
        %parallel_loop3A_513 = arith.index_cast %rem3A_66 : i32 to index
        %parallel_loop3A_514 = arith.index_cast %parallel_loop3A_512 : i32 to index
        %parallel_loop3A_515 = arith.index_cast %parallel_loop3A_511 : i32 to index
        %parallel_loop3A_516 = tpu.vector_load %arg8[%parallel_loop3A_513, %parallel_loop3A_514, %parallel_loop3A_515] {strides = array<i32>} : memref<3x32x1024xf32, #tpu.memory_space<vmem>>, vector<16xf32>,
        tpu.vector_store %arg8[%parallel_loop3A_513, %parallel_loop3A_514, %parallel_loop3A_515], %parallel_loop3A_509 {add = true, strides = array<i32>} : memref<3x32x1024xf32, #tpu.memory_space<vmem>>, vector<16xf32>,
        %parallel_loop3A_517 = arith.addi %gather3A_226, %parallel_loop3A_264 : vector<16xi32>
        %parallel_loop3A_518 = tpu.vector_load_idx %arg7[%parallel_loop3A_517] : memref<6144xf32, #tpu.memory_space<vmem>>[vector<16xi32>], vector<16xf32>,
        %parallel_loop3A_519 = arith.constant 16 : i32
        %parallel_loop3A_520 = arith.muli %parallel_loop3A_260, %parallel_loop3A_519 : i32
        %parallel_loop3A_521 = arith.constant 28 : i32
        %parallel_loop3A_522 = arith.index_cast %rem3A_66 : i32 to index
        %parallel_loop3A_523 = arith.index_cast %parallel_loop3A_521 : i32 to index
        %parallel_loop3A_524 = arith.index_cast %parallel_loop3A_520 : i32 to index
        %parallel_loop3A_525 = tpu.vector_load %arg8[%parallel_loop3A_522, %parallel_loop3A_523, %parallel_loop3A_524] {strides = array<i32>} : memref<3x32x1024xf32, #tpu.memory_space<vmem>>, vector<16xf32>,
        tpu.vector_store %arg8[%parallel_loop3A_522, %parallel_loop3A_523, %parallel_loop3A_524], %parallel_loop3A_518 {add = true, strides = array<i32>} : memref<3x32x1024xf32, #tpu.memory_space<vmem>>, vector<16xf32>,
        %parallel_loop3A_526 = arith.addi %gather3A_230, %parallel_loop3A_264 : vector<16xi32>
        %parallel_loop3A_527 = tpu.vector_load_idx %arg7[%parallel_loop3A_526] : memref<6144xf32, #tpu.memory_space<vmem>>[vector<16xi32>], vector<16xf32>,
        %parallel_loop3A_528 = arith.constant 16 : i32
        %parallel_loop3A_529 = arith.muli %parallel_loop3A_260, %parallel_loop3A_528 : i32
        %parallel_loop3A_530 = arith.constant 29 : i32
        %parallel_loop3A_531 = arith.index_cast %rem3A_66 : i32 to index
        %parallel_loop3A_532 = arith.index_cast %parallel_loop3A_530 : i32 to index
        %parallel_loop3A_533 = arith.index_cast %parallel_loop3A_529 : i32 to index
        %parallel_loop3A_534 = tpu.vector_load %arg8[%parallel_loop3A_531, %parallel_loop3A_532, %parallel_loop3A_533] {strides = array<i32>} : memref<3x32x1024xf32, #tpu.memory_space<vmem>>, vector<16xf32>,
        tpu.vector_store %arg8[%parallel_loop3A_531, %parallel_loop3A_532, %parallel_loop3A_533], %parallel_loop3A_527 {add = true, strides = array<i32>} : memref<3x32x1024xf32, #tpu.memory_space<vmem>>, vector<16xf32>,
        %parallel_loop3A_535 = arith.addi %gather3A_234, %parallel_loop3A_264 : vector<16xi32>
        %parallel_loop3A_536 = tpu.vector_load_idx %arg7[%parallel_loop3A_535] : memref<6144xf32, #tpu.memory_space<vmem>>[vector<16xi32>], vector<16xf32>,
        %parallel_loop3A_537 = arith.constant 16 : i32
        %parallel_loop3A_538 = arith.muli %parallel_loop3A_260, %parallel_loop3A_537 : i32
        %parallel_loop3A_539 = arith.constant 30 : i32
        %parallel_loop3A_540 = arith.index_cast %rem3A_66 : i32 to index
        %parallel_loop3A_541 = arith.index_cast %parallel_loop3A_539 : i32 to index
        %parallel_loop3A_542 = arith.index_cast %parallel_loop3A_538 : i32 to index
        %parallel_loop3A_543 = tpu.vector_load %arg8[%parallel_loop3A_540, %parallel_loop3A_541, %parallel_loop3A_542] {strides = array<i32>} : memref<3x32x1024xf32, #tpu.memory_space<vmem>>, vector<16xf32>,
        tpu.vector_store %arg8[%parallel_loop3A_540, %parallel_loop3A_541, %parallel_loop3A_542], %parallel_loop3A_536 {add = true, strides = array<i32>} : memref<3x32x1024xf32, #tpu.memory_space<vmem>>, vector<16xf32>,
        %parallel_loop3A_544 = arith.addi %gather3A_238, %parallel_loop3A_264 : vector<16xi32>
        %parallel_loop3A_545 = tpu.vector_load_idx %arg7[%parallel_loop3A_544] : memref<6144xf32, #tpu.memory_space<vmem>>[vector<16xi32>], vector<16xf32>,
        %parallel_loop3A_546 = arith.constant 16 : i32
        %parallel_loop3A_547 = arith.muli %parallel_loop3A_260, %parallel_loop3A_546 : i32
        %parallel_loop3A_548 = arith.constant 31 : i32
        %parallel_loop3A_549 = arith.index_cast %rem3A_66 : i32 to index
        %parallel_loop3A_550 = arith.index_cast %parallel_loop3A_548 : i32 to index
        %parallel_loop3A_551 = arith.index_cast %parallel_loop3A_547 : i32 to index
        %parallel_loop3A_552 = tpu.vector_load %arg8[%parallel_loop3A_549, %parallel_loop3A_550, %parallel_loop3A_551] {strides = array<i32>} : memref<3x32x1024xf32, #tpu.memory_space<vmem>>, vector<16xf32>,
        tpu.vector_store %arg8[%parallel_loop3A_549, %parallel_loop3A_550, %parallel_loop3A_551], %parallel_loop3A_545 {add = true, strides = array<i32>} : memref<3x32x1024xf32, #tpu.memory_space<vmem>>, vector<16xf32>,
      } {sc.loop_unroll_factor = 4 : i64, sc.parallel_access}
      %rem3A_241 = arith.constant 3 : i32
      %rem3A_242 = arith.remsi %scan3A_64, %rem3A_241 : i32
      %mul3A_243 = arith.constant 32 : i32
      %mul3A_244 = arith.muli %scan3A_64, %mul3A_243 : i32
      %add3A_245 = arith.addi %mul3A_2, %mul3A_244 : i32
      %dma_start3A_246 = arith.constant 0 : i32
      %dma_start3A_247 = arith.constant 0 : i32
      %dma_start3A_248 = tpu.memref_slice %arg8[%rem3A_242, %dma_start3A_246, %dma_start3A_247] : memref<3x32x1024xf32, #tpu.memory_space<vmem>> -> memref<1x32x1024xf32, #tpu.memory_space<vmem>>
      %dma_start3A_249 = tpu.memref_squeeze %dma_start3A_248 : memref<1x32x1024xf32, #tpu.memory_space<vmem>> -> memref<32x1024xf32, #tpu.memory_space<vmem>>
      %dma_start3A_250 = arith.constant 0 : i32
      %dma_start3A_251 = tpu.memref_slice %arg5[%add3A_245, %dma_start3A_250] : memref<32768x1024xf32, #tpu.memory_space<hbm>> -> memref<32x1024xf32, #tpu.memory_space<hbm>>
      %dma_start3A_252 = tpu.memref_slice %arg10[%rem3A_242] : memref<3x!tpu.dma_semaphore, #tpu.memory_space<semaphore_mem>> -> memref<1x!tpu.dma_semaphore, #tpu.memory_space<semaphore_mem>>
      %dma_start3A_253 = tpu.memref_squeeze %dma_start3A_252 : memref<1x!tpu.dma_semaphore, #tpu.memory_space<semaphore_mem>> -> memref<!tpu.dma_semaphore, #tpu.memory_space<semaphore_mem>>
      %dma_start3A_254 = arith.constant 0 : i32
      %dma_start3A_255 = tpu.memref_slice %arg5[%add3A_245, %dma_start3A_254] : memref<32768x1024xf32, #tpu.memory_space<hbm>> -> memref<32x1024xf32, #tpu.memory_space<hbm>>
      %dma_start3A_256 = arith.constant 0 : i32
      %dma_start3A_257 = arith.constant 0 : i32
      %dma_start3A_258 = tpu.memref_slice %arg8[%rem3A_242, %dma_start3A_256, %dma_start3A_257] : memref<3x32x1024xf32, #tpu.memory_space<vmem>> -> memref<1x32x1024xf32, #tpu.memory_space<vmem>>
      %dma_start3A_259 = tpu.memref_squeeze %dma_start3A_258 : memref<1x32x1024xf32, #tpu.memory_space<vmem>> -> memref<32x1024xf32, #tpu.memory_space<vmem>>
      tpu.enqueue_dma source(%dma_start3A_259 : memref<32x1024xf32, #tpu.memory_space<vmem>>) target(%dma_start3A_255 : memref<32x1024xf32, #tpu.memory_space<hbm>>) target_semaphore(%dma_start3A_253 : memref<!tpu.dma_semaphore, #tpu.memory_space<semaphore_mem>>)
    }
    %scan3A_45 = arith.constant 32 : i32
    %rem3A_46 = arith.constant 31 : i32
    %rem3A_47 = arith.constant 3 : i32
    %rem3A_48 = arith.remsi %rem3A_46, %rem3A_47 : i32
    %add3A_49 = arith.constant 992 : i32
    %add3A_50 = arith.addi %mul3A_2, %add3A_49 : i32
    %dma_wait3A = arith.constant 0 : i32
    %dma_wait3A_51 = arith.constant 0 : i32
    %dma_wait3A_52 = tpu.memref_slice %arg8[%rem3A_48, %dma_wait3A, %dma_wait3A_51] : memref<3x32x1024xf32, #tpu.memory_space<vmem>> -> memref<1x32x1024xf32, #tpu.memory_space<vmem>>
    %dma_wait3A_53 = tpu.memref_squeeze %dma_wait3A_52 : memref<1x32x1024xf32, #tpu.memory_space<vmem>> -> memref<32x1024xf32, #tpu.memory_space<vmem>>
    %dma_wait3A_54 = arith.constant 0 : i32
    %dma_wait3A_55 = tpu.memref_slice %arg5[%add3A_50, %dma_wait3A_54] : memref<32768x1024xf32, #tpu.memory_space<hbm>> -> memref<32x1024xf32, #tpu.memory_space<hbm>>
    %dma_wait3A_56 = tpu.memref_slice %arg10[%rem3A_48] : memref<3x!tpu.dma_semaphore, #tpu.memory_space<semaphore_mem>> -> memref<1x!tpu.dma_semaphore, #tpu.memory_space<semaphore_mem>>
    %dma_wait3A_57 = tpu.memref_squeeze %dma_wait3A_56 : memref<1x!tpu.dma_semaphore, #tpu.memory_space<semaphore_mem>> -> memref<!tpu.dma_semaphore, #tpu.memory_space<semaphore_mem>>
    %dma_wait3A_58 = arith.constant 0 : i32
    %dma_wait3A_59 = tpu.memref_slice %arg5[%add3A_50, %dma_wait3A_58] : memref<32768x1024xf32, #tpu.memory_space<hbm>> -> memref<32x1024xf32, #tpu.memory_space<hbm>>
    %dma_wait3A_60 = arith.constant 0 : i32
    %dma_wait3A_61 = arith.constant 0 : i32
    %dma_wait3A_62 = tpu.memref_slice %arg8[%rem3A_48, %dma_wait3A_60, %dma_wait3A_61] : memref<3x32x1024xf32, #tpu.memory_space<vmem>> -> memref<1x32x1024xf32, #tpu.memory_space<vmem>>
    %dma_wait3A_63 = tpu.memref_squeeze %dma_wait3A_62 : memref<1x32x1024xf32, #tpu.memory_space<vmem>> -> memref<32x1024xf32, #tpu.memory_space<vmem>>
    tpu.wait_dma2 semaphore(%dma_wait3A_57 : memref<!tpu.dma_semaphore, #tpu.memory_space<semaphore_mem>>) src(%dma_wait3A_63 : memref<32x1024xf32, #tpu.memory_space<vmem>>) dst(%dma_wait3A_59 : memref<32x1024xf32, #tpu.memory_space<hbm>>)
    return
  }
}

</mosaic_0001>

<sc_bundles>
// kernel: kernel.3.cloned.1.call-start
scs
__scs_entry_jumppad:
0x0: {  	(pc) =	sbr.rel $0x88, $3  }
0x1: {  	(tag) =	ssettag $0x0;
	lr =	simm.s32 $0x1  }
0x2: {  	[smem:$0x3F9E] =	sst lr;
	_ =	strace $0xD0000000  }
0x3: {  	_ = 	snop  }
0x4: {  	_ = 	snop  }
0x5: {  	_ = 	snop  }
0x6: {  	_ = 	snop  }
0x7: {  	_ = 	snop  }
__scs_overlays_trampoline_lowered:
0x8: {  	[smem:$0x3FAD] =	sst s0  }
0x9: {  	[smem:$0x3FAE] =	sst s1  }
0xa: {  	[smem:$0x3FAF] =	sst s2  }
0xb: {  	[smem:$0x3FB0] =	sst s3  }
0xc: {  	[smem:$0x3FB1] =	sst s4  }
0xd: {  	[smem:$0x3FB2] =	sst s5  }
0xe: {  	[smem:$0x3FB3] =	sst s6  }
0xf: {  	[smem:$0x3FB4] =	sst s7  }
0x10: {  	[smem:$0x3FB5] =	sst s8  }
0x11: {  	[smem:$0x3FB6] =	sst s9;
	s0 =	simm.s32 @!p0 $0x0  }
0x12: {  	s1 =	sld [smem:$0x3F9C];
	s0 =	simm.s32 @p0 $0x1  }
0x13: {  	[smem:$0x3FB7] =	sst s0;
	s0 =	simm.s32 @!p1 $0x0  }
0x14: {  	s2 =	sld [smem:$0x3F9B];
	s0 =	simm.s32 @p1 $0x1  }
0x15: {  	[smem:$0x3FB8] =	sst s0;
	s0 =	simm.s32 @!p2 $0x0  }
0x16: {  	s3 =	sld [smem:$0x3FDB];
	s0 =	simm.s32 @p2 $0x1  }
0x17: {  	s4 =	simm.s32 $0x1BF5;
	[smem:$0x3FBA] =	sst s0  }
0x18: {  	s0 =	sld [smem:$0x3F9D];
	_ =	swait.ge [sflag:s4], $0x0  }
0x19: {  	s7 =	sld [smem:$0x3F9E]  }
0x1a: {  	s8 =	sadd.s32 $0xFFFFE003, lr  }
0x1b: {  	s9 =	sadd.s32 $0xFFFFFEF7, lr;
	s5 =	simm.s32 $0xFFFFFFFF;
	p2 =	slt.u32 s8, $0xFFFFF086  }
0x1c: {  	p1 =	slt.u32 s9, $0xF7A;
	s5 =	simm.s32 @!p2 $0x0  }
0x1d: {  	s5 =	simm.s32 @p1 $0x1;
	p0 =	seq.s32 s7, s2  }
0x1e: {  	s7 =	smul.u32 @!p0 $0xF7A, s2;
	p2 =	seq.s32 @!p0 s5, $0x0  }
0x1f: {  	s9 =	smul.u32 $0xF7A, s1;
	s8 =	simm.s32 @!p0 $0x1BF5;
	p2 =	por !p2, p0  }
0x20: {  	[sflag:s8] =	ssyncset.s32 @!p0 $0xFFFFF086;
	s6 =	sadd.s32 @!p0 s3, s7;
	s7 =	simm.s32 @!p0 $0x108  }
0x21: {  	s3 =	sadd.s32 s3, s9;
	s6 =	sadd.s32 @!p0 $0x88, s6;
	s7 =	simm.s32 @p2 $0x1082  }
0x22: {  	[simem:s7], [sflag:s8] =	dma.local @!p0 [hbm:s6], $0xF7A  }
0x23: {  	s9 =	sor.u32 $0xD0000000, s2;
	s6 =	simm.s32 $0x108;
	_ =	swait.ge @!p0 [sflag:s8], $0x0  }
0x24: {  	s3 =	sadd.s32 $0x88, s3;
	s6 =	simm.s32 @!p1 $0x1082;
	[sflag:s4] =	ssyncset.s32 $0xFFFFF086  }
0x25: {  	[simem:s6], [sflag:s4] =	dma.local [hbm:s3], $0xF7A  }
0x26: {  	[smem:$0x3F9E] =	sst s1;
	(tag) =	ssettag s2;
	_ =	strace s9  }
0x27: {  	s1 =	sld [smem:$0x3FAE]  }
0x28: {  	s2 =	sld [smem:$0x3FAF]  }
0x29: {  	s4 =	sld [smem:$0x3FB1]  }
0x2a: {  	p0 =	seq.s32 s5, $0x0;
	s5 =	sld [smem:$0x3FB2]  }
0x2b: {  	s6 =	sld [smem:$0x3FB3]  }
0x2c: {  	s7 =	sld [smem:$0x3FB4]  }
0x2d: {  	s3 =	simm.s32 $0x108;
	s8 =	sld [smem:$0x3FB5]  }
0x2e: {  	s3 =	simm.s32 @!p0 $0x1082;
	s9 =	sld [smem:$0x3FB6]  }
0x2f: {  	lr =	sadd.s32 s0, s3;
	s0 =	sld [smem:$0x3FAD]  }
0x30: {  	s3 =	sld [smem:$0x3FB0]  }
0x31: {  	[smem:$0x3FB9] =	sst s10  }
0x32: {  	s10 =	sld [smem:$0x3FB7];
	_ =	sdelay $0x3  }
0x33: {  	p0 =	seq.s32 s10, $0x1;
	s10 =	sld [smem:$0x3FB9];
	_ =	sdelay $0x3  }
0x34: {  	[smem:$0x3FB9] =	sst s10  }
0x35: {  	s10 =	sld [smem:$0x3FB8];
	_ =	sdelay $0x3  }
0x36: {  	p1 =	seq.s32 s10, $0x1;
	s10 =	sld [smem:$0x3FB9];
	_ =	sdelay $0x3  }
0x37: {  	[smem:$0x3FB9] =	sst s10  }
0x38: {  	s10 =	sld [smem:$0x3FBA]  }
0x39: {  	_ = 	snop;
	(pc) =	sbr.ind lr, $3  }
0x3a: {  	_ = 	snop  }
0x3b: {  	_ = 	snop  }
0x3c: {  	p2 =	seq.s32 s10, $0x1;
	s10 =	sld [smem:$0x3FB9]  }
0x3d: {  	_ =	shalt  }
0x3e: {  	_ =	shalt  }
0x3f: {  	_ =	shalt  }
0x40: {  	_ =	shalt  }
0x41: {  	_ =	shalt  }
0x42: {  	_ =	shalt  }
0x43: {  	_ =	shalt  }
0x44: {  	_ =	shalt  }
0x45: {  	_ =	shalt  }
0x46: {  	_ =	shalt  }
0x47: {  	_ =	shalt  }
0x48: {  	_ =	shalt  }
0x49: {  	_ =	shalt  }
0x4a: {  	_ =	shalt  }
0x4b: {  	_ =	shalt  }
0x4c: {  	_ =	shalt  }
0x4d: {  	_ =	shalt  }
0x4e: {  	_ =	shalt  }
0x4f: {  	_ =	shalt  }
0x50: {  	_ =	shalt  }
0x51: {  	_ =	shalt  }
0x52: {  	_ =	shalt  }
0x53: {  	_ =	shalt  }
0x54: {  	_ =	shalt  }
0x55: {  	_ =	shalt  }
0x56: {  	_ =	shalt  }
0x57: {  	_ =	shalt  }
0x58: {  	_ =	shalt  }
0x59: {  	_ =	shalt  }
0x5a: {  	_ =	shalt  }
0x5b: {  	_ =	shalt  }
0x5c: {  	_ =	shalt  }
0x5d: {  	_ =	shalt  }
0x5e: {  	_ =	shalt  }
0x5f: {  	_ =	shalt  }
0x60: {  	_ =	shalt  }
0x61: {  	_ =	shalt  }
0x62: {  	_ =	shalt  }
0x63: {  	_ =	shalt  }
0x64: {  	_ =	shalt  }
0x65: {  	_ =	shalt  }
0x66: {  	_ =	shalt  }
0x67: {  	_ =	shalt  }
0x68: {  	_ =	shalt  }
0x69: {  	_ =	shalt  }
0x6a: {  	_ =	shalt  }
0x6b: {  	_ =	shalt  }
0x6c: {  	_ =	shalt  }
0x6d: {  	_ =	shalt  }
0x6e: {  	_ =	shalt  }
0x6f: {  	_ =	shalt  }
0x70: {  	_ =	shalt  }
0x71: {  	_ =	shalt  }
0x72: {  	_ =	shalt  }
0x73: {  	_ =	shalt  }
0x74: {  	_ =	shalt  }
0x75: {  	_ =	shalt  }
0x76: {  	_ =	shalt  }
0x77: {  	_ =	shalt  }
0x78: {  	_ =	shalt  }
0x79: {  	_ =	shalt  }
0x7a: {  	_ =	shalt  }
0x7b: {  	_ =	shalt  }
0x7c: {  	_ =	shalt  }
0x7d: {  	_ =	shalt  }
0x7e: {  	_ =	shalt  }
0x7f: {  	_ =	shalt  }
0x80: {  	_ =	shalt  }
0x81: {  	_ =	shalt  }
0x82: {  	_ =	shalt  }
0x83: {  	_ =	shalt  }
0x84: {  	_ =	shalt  }
0x85: {  	_ =	shalt  }
0x86: {  	_ =	shalt  }
0x87: {  	_ =	shalt  }
.Lfunc_end0:
.L_simem_size_0:
called_computation_lowered:
.L_overlay_start_0:
0x88: {  	s2 =	sld [smem:$0x3FD9]  }
0x89: {  	s3 =	sld [smem:$0x3FFE];
	_ =	sdelay $0x1  }
0x8a: {  	s1 =	srdreg.scid  }
0x8b: {  	s0 =	sand.u32 $0x1, s1  }
0x8c: {  	s17 =	sshll.u32 s0, $0xA;
	s2 =	sadd.s32 s3, s2  }
0x8d: {  	s2 =	sadd.s32 s2, s17  }
0x8e: {  	[smem:$0x3FC5] =	sst s2  }
0x8f: {  	_ = 	snop  }
0x90: {  	s2 =	sld [smem:$0x3FC9]  }
0x91: {  	s18 =	sld [smem:$0x3FD0];
	(tm) =	ssettm $0x1  }
0x92: {  	s4 =	sld [smem:$0x3FFB];
	_ =	sdelay $0x3  }
0x93: {  	_ =	strace s4  }
0x94: {  	s4 =	sld [smem:$0x3FFC];
	_ =	sdelay $0x3  }
0x95: {  	_ =	strace s4  }
0x96: {  	s4 =	sld [smem:$0x3FFD];
	_ =	sdelay $0x3  }
0x97: {  	_ =	strace s4  }
0x98: {  	_ =	strace $0x8FFFFFFF  }
0x99: {  	s19 =	sld [smem:$0x3FDB];
	_ =	sdelay $0x1  }
0x9a: {  	s5 =	simm.s32 $_scs_section_size  }
0x9b: {  	s6 =	simm.s32 $_size__tile_overlayer_lowered;
	s7 =	simm.s32 $_tile_overlayer_lowered  }
0x9c: {  	s22 =	simm.s32 $0x1BFF;
	s21 =	sshll.u32 s7, $0x1;
	s4 =	sadd.s32 s5, s19  }
0x9d: {  	s8 =	simm.s32 $0x0;
	s20 =	sshll.u32 s6, $0x1;
	s6 =	sadd.s32 s21, s4  }
0x9e: {  	[timem:s8], [sflag:s22] =	dma.local [hbm:s6], s20  }
0x9f: {  	_ =	swait.ge [sflag:s22], s20  }
0xa0: {  	s5 =	ssub.s32 $0x0, s20;
	[sflag:s22] =	ssyncset.done $0x0  }
0xa1: {  	[sflag:s22] =	ssyncadd.s32 s5;
	_ =	sdelay $0x1  }
0xa2: {  	s23 =	simm.s32 $0x1B8B  }
0xa3: {  	_ =	swait.ge [sflag:s23], $0x1  }
0xa4: {  	[sflag:s23] =	ssyncset.done $0x0  }
0xa5: {  	s25 =	simm.s32 $0x1B8E;
	s24 =	sld [smem:$0x3FFE];
	[sflag:s23] =	ssyncadd.s32 $0xFFFFFFFF  }
0xa6: {  	s26 =	simm.s32 $execute0_lowered;
	[smem:$0x3FD2] =	sst s25  }
0xa7: {  	s6 =	sshll.u32 s26, $0x1;
	_ =	strace $0x80000046;
	[dreg:$0x1] =	wrdreg $0xFFFFFFFF  }
0xa8: {  	s28 =	simm.s32 $_size_execute0_lowered;
	s4 =	sadd.s32 s4, s6;
	[dreg:$0x0] =	wrdreg $0x0  }
0xa9: {  	s6 =	sshll.u32 s28, $0x1;
	[dreg:$0x2] =	wrdreg s4  }
0xaa: {  	[dreg:$0x3] =	wrdreg s6  }
0xab: {  	[dreg:$0x4] =	wrdreg $0xC0  }
0xac: {  	_ =	task [dreg:s8], $0x5FFFF  }
0xad: {  	[dreg:$0x1] =	wrdreg $0xFFFFFFFF  }
0xae: {  	[dreg:$0x0] =	wrdreg $0x60  }
0xaf: {  	[dreg:$0x2] =	wrdreg s2  }
0xb0: {  	[dreg:$0x3] =	wrdreg s24  }
0xb1: {  	[dreg:$0x4] =	wrdreg s18  }
0xb2: {  	[dreg:$0x5] =	wrdreg $0x9  }
0xb3: {  	_ =	task.clear_ibuf [dreg:s8], $0x6FFFF;
	_ =	strace $0x90000046  }
0xb4: {  	s29 =	simm.s32 $0x9;
	_ =	strace $0x80000048  }
0xb5: {  	_ =	swait.ge [sflag:s29], $0x1  }
0xb6: {  	[sflag:s29] =	ssyncadd.s32 $0xFFFFFFFF  }
0xb7: {  	_ =	strace $0x90000048  }
0xb8: {  	_ =	sfence  }
0xb9: {  	s30 =	sld [smem:$0x0];
	_ =	sdelay $0x2  }
0xba: {  	s31 =	sshll.u32 s1, $0xD;
	s1 =	sshrl.u32 s1, $0x2  }
0xbb: {  	s3 =	sand.u32 $0x4000, s31;
	s1 =	sadd.s32 s1, s30  }
0xbc: {  	s0 =	sor.u32 s3, s0;
	s1 =	sshll.u32 s1, $0x11  }
0xbd: {  	s0 =	sor.u32 s1, s0  }
0xbe: {  	s0 =	sadd.s32 $0x8F2B, s0  }
0xbf: {  	[sflag:s0] =	ssyncadd.remote.s32 $0x1  }
0xc0: {  	_ =	sfence.sel $0xFFFF  }
0xc1: {  	[dreg:$0x0] =	wrdreg $0xFFFFFFFF;
	(pc) =	sbr.abs _section_cstart, $3  }
0xc2: {  	[dreg:$0x1] =	wrdreg $0xFFFFFFFF  }
0xc3: {  	_ =	task.clear_ibuf [dreg:s8], $0x2FFFF;
	_ =	strace $0x9FFFFFFF  }
0xc4: {  	(tm) =	ssettm $0x7FFFFFFF  }
0xc5: {  	_ =	shalt  }
tec
execute0_lowered:
.L_overlay_start_1:
0x0: {  	(tag) =	ssettag $0x1  }
0x1: {  	s0 =	rddreg [dreg:$0x0]  }
0x2: {  	s1 =	rddreg [dreg:$0x1]  }
0x3: {  	s2 =	srdreg.scid;
	s5 =	stileid.u32  }
0x4: {  	s3 =	rddreg [dreg:$0x2];
	s9 =	simm.s32 $0x7;
	s10 =	simm.s32 $0x2000  }
0x5: {  	s13 =	simm.s32 $0x5;
	s4 =	sand.u32 $0x1, s2;
	s5 =	sshll.u32 s5, $0x1  }
0x6: {  	s14 =	simm.s32 $0x0;
	s2 =	simm.s32 $0x0;
	s5 =	sor.u32 s4, s5  }
0x7: {  	[smem:$0x7FF] =	sst s2;
	s4 =	ssub.s32 $0x2, s4;
	s6 =	sshll.u32 s5, $0xA  }
0x8: {  	_ =	strace $0x80000047;
	s31 =	sshrl.u32 s4, $0x1;
	s7 =	sshll.u32 s5, $0x11  }
0x9: {  	s6 =	sadd.s32 s6, s1;
	s1 =	sadd.s32 $0x400, s1;
	s5 =	sadd.s32 s0, s7  }
0xa: {  	s7 =	sadd.s32 s3, s7;
	[dreg:$0x4] =	wrdreg s1;
	s1 =	ssub.s32 s4, s31  }
0xb: {  	v26 =	vlaneseq.u32;
	s4 =	sadd.s32 $0x800, s6;
	s6 =	sadd.s32 $0x1000, s5;
	s8 =	smax.u32 s1, $0x1  }
.LBB2_1:
0xc: {  	[tilespmem:s2], [sflag:$0x7] =	stream.linear.gather [hbm4b:s4+s2], $0x2000, $0x38;
	[tilespmem:$0x1B800] =	vst v63  }
0xd: {  	_ =	swait.ge [sflag:s9], $0x2000  }
0xe: {  	[sflag:s9] =	ssyncset.done $0x0  }
0xf: {  	s0 =	rddreg [dreg:$0x4];
	[sflag:s9] =	ssyncadd.s32 $0xFFFFE000  }
0x10: {  	[tilespmem:s10], [sflag:$0x7] =	stream.linear.gather [hbm4b:s0+s2], $0x1800, $0x38;
	[tilespmem:$0x1B800] =	vst v63  }
0x11: {  	_ =	swait.ge [sflag:s9], $0x1800  }
0x12: {  	[sflag:s9] =	ssyncset.done $0x0  }
0x13: {  	s30 =	simm.s32 $0x3800;
	[sflag:s9] =	ssyncadd.s32 $0xFFFFE800  }
0x14: {  	[tilespmem:s30], [sflag:$0x1] =	stream.linear.gather [hbm4b:s5+s2], $0x8000, $0x38;
	[tilespmem:$0x1B800] =	vst v63  }
0x15: {  	s31 =	simm.s32 $0xB800;
	s15 =	simm.s32 $0x0  }
0x16: {  	[tilespmem:s31], [sflag:$0x2] =	stream.linear.gather [hbm4b:s6+s2], $0x8000, $0x38;
	[tilespmem:$0x1B800] =	vst v63  }
.LBB2_2:
0x17: {  	p0 =	seq.s32 s15, $0x0  }
0x18: {  	s0 =	sadd.s32 @!p0 $0xFFFFFFFF, s15  }
0x19: {  	s1 =	sand.u32 @!p0 $0xFF, s0  }
0x1a: {  	s1 =	smul.u32 @!p0 $0xAB, s1;
	_ =	sdelay $0x1  }
0x1b: {  	s1 =	sshrl.u32 @!p0 s1, $0x9  }
0x1c: {  	s1 =	smul.u32 @!p0 $0x3, s1;
	_ =	sdelay $0x1  }
0x1d: {  	s0 =	ssub.s32 @!p0 s0, s1  }
0x1e: {  	s0 =	sor.u32 @!p0 $0x4, s0  }
0x1f: {  	s0 =	sand.u32 @!p0 $0xFF, s0  }
0x20: {  	p1 =	sgt.u32 @!p0 s15, $0x1D;
	_ =	swait.ge @!p0 [sflag:s0], $0x8000  }
0x21: {  	p1 =	por p0, !p1;
	[sflag:s0] =	ssyncset.done @!p0 $0x0  }
0x22: {  	[sflag:s0] =	ssyncadd.s32 @!p0 $0xFFFF8000;
	s0 =	sadd.s32 @p1 $0x2, s15  }
0x23: {  	s1 =	smul.u32 @p1 $0xAB, s0;
	_ =	sdelay $0x1  }
0x24: {  	s1 =	sshrl.u32 @p1 s1, $0x9  }
0x25: {  	s1 =	sand.u32 @p1 $0x7F, s1  }
0x26: {  	s1 =	smul.u32 @p1 $0x3, s1;
	_ =	sdelay $0x1  }
0x27: {  	s1 =	ssub.s32 @p1 s0, s1  }
0x28: {  	s1 =	sand.u32 @p1 $0xFF, s1  }
0x29: {  	s11 =	smul.u32 $0xAB, s15;
	s0 =	sshll.u32 @p1 s0, $0xC;
	s3 =	sshll.u32 @p1 s1, $0xF  }
0x2a: {  	s0 =	sadd.s32 @p1 s0, s5;
	s1 =	sadd.s32 @p1 $0x1, s1;
	s3 =	sor.u32 @p1 $0x3800, s3  }
0x2b: {  	[tilespmem:s3], [sflag:s1] =	stream.linear.gather @p1 [hbm4b:s0+s2], $0x8000, $0x38;
	[tilespmem:$0x1B800] =	vst v63  }
0x2c: {  	s0 =	sshrl.u32 s11, $0x9  }
0x2d: {  	s0 =	sand.u32 $0x7F, s0  }
0x2e: {  	s0 =	smul.u32 $0x3, s0;
	_ =	sdelay $0x1  }
0x2f: {  	s0 =	ssub.s32 s15, s0  }
0x30: {  	s16 =	sand.u32 $0xFF, s0  }
0x31: {  	s0 =	sadd.s32 $0x1, s16  }
0x32: {  	_ =	swait.ge [sflag:s0], $0x8000  }
0x33: {  	s12 =	sshll.u32 s15, $0x8;
	[sflag:s0] =	ssyncset.done $0x0  }
0x34: {  	s17 =	sand.u32 $0x3FFFFF00, s12;
	[sflag:s0] =	ssyncadd.s32 $0xFFFF8000  }
0x35: {  	v0 =	vld [tilespmem:s17+$0x0];
	_ =	sdelay $0x4  }
0x36: {  	v11 =	vimm.s32 $0x0;
	v1 =	vshll.u32 v0, $0xA  }
0x37: {  	s18 =	simm.s32 $0x20;
	v27 =	vperm.xlane v1, v11  }
0x38: {  	v0 =	vor.u32 s18, v26  }
0x39: {  	s19 =	simm.s32 $0x0;
	v2 =	vadd.s32 v27, v0  }
0x3a: {  	s12 =	simm.s32 $0x10;
	v51 =	vor.u32 s19, v26  }
0x3b: {  	s20 =	simm.s32 $0x30;
	v50 =	vor.u32 s12, v26;
	v3 =	vadd.s32 v27, v51  }
0x3c: {  	v49 =	vor.u32 s20, v26;
	v4 =	vadd.s32 v27, v50  }
0x3d: {  	v5 =	vadd.s32 v27, v49  }
0x3e: {  	v6 =	vld.idx.msk [tilespmem:v2+s10+$0x0], $0xffff  }
0x3f: {  	v2 =	vld [tilespmem:s17+$0x80]  }
0x40: {  	v12 =	vimm.s32 $0x1;
	s11 =	simm.s32 $0x0;
	s23 =	sshll.u32 s16, $0xF;
	v3 =	vld.idx.msk [tilespmem:v3+s10+$0x0], $0xffff  }
0x41: {  	s24 =	sand.u32 $0x1C00, s11;
	v28 =	vperm.xlane v1, v12;
	s17 =	sor.u32 $0x3800, s23;
	v4 =	vld.idx.msk [tilespmem:v4+s10+$0x0], $0xffff  }
0x42: {  	s21 =	sand.u32 $0x60, s18;
	v5 =	vld.idx.msk [tilespmem:v5+s10+$0x0], $0xffff;
	s22 =	sadd.s32 s24, s17  }
0x43: {  	s18 =	sand.u32 $0x40, s19;
	v7 =	vadd.s32 v28, v0;
	s25 =	sadd.s32 s21, s22  }
0x44: {  	s19 =	sand.u32 $0x50, s12;
	v8 =	vadd.s32 v28, v51;
	s3 =	sadd.s32 s18, s22;
	[tilespmem:s25+$0x0] =	vst.add.f32.msk $0xffff, v6  }
0x45: {  	s20 =	sand.u32 $0x70, s20;
	s0 =	sadd.s32 s19, s22;
	[tilespmem:s3+$0x0] =	vst.add.f32.msk $0xffff, v3  }
0x46: {  	s26 =	sadd.s32 s20, s22;
	v6 =	vadd.s32 v28, v50;
	[tilespmem:s0+$0x0] =	vst.add.f32.msk $0xffff, v4  }
0x47: {  	v13 =	vimm.s32 $0x2;
	v4 =	vadd.s32 v28, v49;
	[tilespmem:s26+$0x0] =	vst.add.f32.msk $0xffff, v5  }
0x48: {  	v29 =	vperm.xlane v1, v13;
	v7 =	vld.idx.msk [tilespmem:v7+s10+$0x0], $0xffff  }
0x49: {  	v5 =	vld.idx.msk [tilespmem:v8+s10+$0x0], $0xffff  }
0x4a: {  	v3 =	vadd.s32 v29, v0  }
0x4b: {  	v8 =	vadd.s32 v29, v51;
	v6 =	vld.idx.msk [tilespmem:v6+s10+$0x0], $0xffff  }
0x4c: {  	v4 =	vld.idx.msk [tilespmem:v4+s10+$0x0], $0xffff  }
0x4d: {  	v14 =	vimm.s32 $0x3;
	[tilespmem:s25+$0x80] =	vst.add.f32.msk $0xffff, v7  }
0x4e: {  	v30 =	vperm.xlane v1, v14;
	[tilespmem:s3+$0x80] =	vst.add.f32.msk $0xffff, v5;
	v5 =	vadd.s32 v29, v50  }
0x4f: {  	v3 =	vld.idx.msk [tilespmem:v3+s10+$0x0], $0xffff  }
0x50: {  	v7 =	vadd.s32 v30, v0;
	v8 =	vld.idx.msk [tilespmem:v8+s10+$0x0], $0xffff  }
0x51: {  	[tilespmem:s0+$0x80] =	vst.add.f32.msk $0xffff, v6  }
0x52: {  	v6 =	vadd.s32 v29, v49;
	[tilespmem:s26+$0x80] =	vst.add.f32.msk $0xffff, v4  }
0x53: {  	v4 =	vld.idx.msk [tilespmem:v5+s10+$0x0], $0xffff  }
0x54: {  	v15 =	vimm.s32 $0x4;
	[tilespmem:s25+$0x100] =	vst.add.f32.msk $0xffff, v3;
	v3 =	vadd.s32 v30, v51  }
0x55: {  	v31 =	vperm.xlane v1, v15;
	v7 =	vld.idx.msk [tilespmem:v7+s10+$0x0], $0xffff  }
0x56: {  	[tilespmem:s3+$0x100] =	vst.add.f32.msk $0xffff, v8;
	v8 =	vadd.s32 v30, v50  }
0x57: {  	v5 =	vadd.s32 v31, v0;
	v6 =	vld.idx.msk [tilespmem:v6+s10+$0x0], $0xffff  }
0x58: {  	[tilespmem:s0+$0x100] =	vst.add.f32.msk $0xffff, v4  }
0x59: {  	v9 =	vadd.s32 v30, v49;
	v3 =	vld.idx.msk [tilespmem:v3+s10+$0x0], $0xffff  }
0x5a: {  	v16 =	vimm.s32 $0x5;
	[tilespmem:s25+$0x180] =	vst.add.f32.msk $0xffff, v7  }
0x5b: {  	v32 =	vperm.xlane v1, v16;
	v7 =	vld.idx.msk [tilespmem:v8+s10+$0x0], $0xffff  }
0x5c: {  	v5 =	vld.idx.msk [tilespmem:v5+s10+$0x0], $0xffff  }
0x5d: {  	v4 =	vadd.s32 v32, v0;
	[tilespmem:s26+$0x100] =	vst.add.f32.msk $0xffff, v6  }
0x5e: {  	v6 =	vadd.s32 v31, v51;
	v8 =	vld.idx.msk [tilespmem:v9+s10+$0x0], $0xffff  }
0x5f: {  	[tilespmem:s3+$0x180] =	vst.add.f32.msk $0xffff, v3  }
0x60: {  	v3 =	vadd.s32 v31, v50;
	[tilespmem:s0+$0x180] =	vst.add.f32.msk $0xffff, v7  }
0x61: {  	v17 =	vimm.s32 $0x6;
	[tilespmem:s25+$0x200] =	vst.add.f32.msk $0xffff, v5;
	v5 =	vadd.s32 v31, v49  }
0x62: {  	v33 =	vperm.xlane v1, v17;
	v4 =	vld.idx.msk [tilespmem:v4+s10+$0x0], $0xffff  }
0x63: {  	v6 =	vld.idx.msk [tilespmem:v6+s10+$0x0], $0xffff  }
0x64: {  	v7 =	vadd.s32 v33, v0;
	[tilespmem:s26+$0x180] =	vst.add.f32.msk $0xffff, v8  }
0x65: {  	v8 =	vadd.s32 v32, v51;
	v3 =	vld.idx.msk [tilespmem:v3+s10+$0x0], $0xffff  }
0x66: {  	v5 =	vld.idx.msk [tilespmem:v5+s10+$0x0], $0xffff  }
0x67: {  	[tilespmem:s25+$0x280] =	vst.add.f32.msk $0xffff, v4  }
0x68: {  	v18 =	vimm.s32 $0x7;
	v4 =	vadd.s32 v32, v50;
	[tilespmem:s3+$0x200] =	vst.add.f32.msk $0xffff, v6  }
0x69: {  	v34 =	vperm.xlane v1, v18;
	v7 =	vld.idx.msk [tilespmem:v7+s10+$0x0], $0xffff  }
0x6a: {  	v6 =	vld.idx.msk [tilespmem:v8+s10+$0x0], $0xffff  }
0x6b: {  	v8 =	vadd.s32 v34, v0;
	[tilespmem:s0+$0x200] =	vst.add.f32.msk $0xffff, v3  }
0x6c: {  	v56 =	vadd.s32 v32, v49;
	[tilespmem:s26+$0x200] =	vst.add.f32.msk $0xffff, v5  }
0x6d: {  	v3 =	vadd.s32 v33, v51;
	v4 =	vld.idx.msk [tilespmem:v4+s10+$0x0], $0xffff  }
0x6e: {  	[tilespmem:s25+$0x300] =	vst.add.f32.msk $0xffff, v7  }
0x6f: {  	v5 =	vadd.s32 v33, v50;
	[tilespmem:s3+$0x280] =	vst.add.f32.msk $0xffff, v6  }
0x70: {  	v19 =	vimm.s32 $0x8;
	v7 =	vld.idx.msk [tilespmem:v8+s10+$0x0], $0xffff  }
0x71: {  	v35 =	vperm.xlane v1, v19;
	v8 =	vld.idx.msk [tilespmem:v56+s10+$0x0], $0xffff  }
0x72: {  	v3 =	vld.idx.msk [tilespmem:v3+s10+$0x0], $0xffff  }
0x73: {  	v6 =	vadd.s32 v35, v0;
	[tilespmem:s0+$0x280] =	vst.add.f32.msk $0xffff, v4  }
0x74: {  	v57 =	vadd.s32 v33, v49;
	v4 =	vld.idx.msk [tilespmem:v5+s10+$0x0], $0xffff  }
0x75: {  	[tilespmem:s25+$0x380] =	vst.add.f32.msk $0xffff, v7  }
0x76: {  	v5 =	vadd.s32 v34, v51;
	[tilespmem:s26+$0x280] =	vst.add.f32.msk $0xffff, v8  }
0x77: {  	v20 =	vimm.s32 $0x9;
	[tilespmem:s3+$0x300] =	vst.add.f32.msk $0xffff, v3;
	v3 =	vadd.s32 v34, v50  }
0x78: {  	v36 =	vperm.xlane v1, v20;
	v6 =	vld.idx.msk [tilespmem:v6+s10+$0x0], $0xffff  }
0x79: {  	v8 =	vld.idx.msk [tilespmem:v57+s10+$0x0], $0xffff  }
0x7a: {  	v7 =	vadd.s32 v36, v0;
	[tilespmem:s0+$0x300] =	vst.add.f32.msk $0xffff, v4  }
0x7b: {  	s29 =	sadd.s32 $0x2000, s22;
	v4 =	vadd.s32 v34, v49;
	v5 =	vld.idx.msk [tilespmem:v5+s10+$0x0], $0xffff  }
0x7c: {  	s30 =	sadd.s32 s21, s29;
	v3 =	vld.idx.msk [tilespmem:v3+s10+$0x0], $0xffff  }
0x7d: {  	v10 =	vimm.s32 $0xA;
	[tilespmem:s30+$0x0] =	vst.add.f32.msk $0xffff, v6  }
0x7e: {  	v37 =	vperm.xlane v1, v10;
	v6 =	vadd.s32 v35, v51;
	[tilespmem:s26+$0x300] =	vst.add.f32.msk $0xffff, v8  }
0x7f: {  	v7 =	vld.idx.msk [tilespmem:v7+s10+$0x0], $0xffff  }
0x80: {  	v8 =	vadd.s32 v37, v0;
	v4 =	vld.idx.msk [tilespmem:v4+s10+$0x0], $0xffff  }
0x81: {  	[tilespmem:s3+$0x380] =	vst.add.f32.msk $0xffff, v5  }
0x82: {  	v5 =	vadd.s32 v35, v50;
	[tilespmem:s0+$0x380] =	vst.add.f32.msk $0xffff, v3  }
0x83: {  	v21 =	vimm.s32 $0xB;
	v58 =	vadd.s32 v35, v49;
	v6 =	vld.idx.msk [tilespmem:v6+s10+$0x0], $0xffff  }
0x84: {  	v38 =	vperm.xlane v1, v21;
	[tilespmem:s30+$0x80] =	vst.add.f32.msk $0xffff, v7  }
0x85: {  	v7 =	vld.idx.msk [tilespmem:v8+s10+$0x0], $0xffff  }
0x86: {  	v3 =	vadd.s32 v38, v0;
	[tilespmem:s26+$0x380] =	vst.add.f32.msk $0xffff, v4  }
0x87: {  	v4 =	vadd.s32 v36, v51;
	v5 =	vld.idx.msk [tilespmem:v5+s10+$0x0], $0xffff  }
0x88: {  	s31 =	sadd.s32 s18, s29;
	v8 =	vld.idx.msk [tilespmem:v58+s10+$0x0], $0xffff  }
0x89: {  	[tilespmem:s31+$0x0] =	vst.add.f32.msk $0xffff, v6  }
0x8a: {  	v6 =	vadd.s32 v36, v50;
	[tilespmem:s30+$0x100] =	vst.add.f32.msk $0xffff, v7  }
0x8b: {  	v22 =	vimm.s32 $0xC;
	v7 =	vadd.s32 v36, v49;
	v3 =	vld.idx.msk [tilespmem:v3+s10+$0x0], $0xffff  }
0x8c: {  	v39 =	vperm.xlane v1, v22;
	s1 =	sadd.s32 s19, s29;
	v4 =	vld.idx.msk [tilespmem:v4+s10+$0x0], $0xffff  }
0x8d: {  	s12 =	sadd.s32 s20, s29;
	[tilespmem:s1+$0x0] =	vst.add.f32.msk $0xffff, v5  }
0x8e: {  	v5 =	vadd.s32 v39, v0;
	[tilespmem:s12+$0x0] =	vst.add.f32.msk $0xffff, v8  }
0x8f: {  	v8 =	vadd.s32 v37, v51;
	v6 =	vld.idx.msk [tilespmem:v6+s10+$0x0], $0xffff  }
0x90: {  	v7 =	vld.idx.msk [tilespmem:v7+s10+$0x0], $0xffff  }
0x91: {  	[tilespmem:s30+$0x180] =	vst.add.f32.msk $0xffff, v3  }
0x92: {  	v23 =	vimm.s32 $0xD;
	v3 =	vadd.s32 v37, v50;
	[tilespmem:s31+$0x80] =	vst.add.f32.msk $0xffff, v4  }
0x93: {  	v40 =	vperm.xlane v1, v23;
	v5 =	vld.idx.msk [tilespmem:v5+s10+$0x0], $0xffff  }
0x94: {  	v4 =	vld.idx.msk [tilespmem:v8+s10+$0x0], $0xffff  }
0x95: {  	v8 =	vadd.s32 v40, v0;
	[tilespmem:s1+$0x80] =	vst.add.f32.msk $0xffff, v6  }
0x96: {  	v59 =	vadd.s32 v37, v49;
	[tilespmem:s12+$0x80] =	vst.add.f32.msk $0xffff, v7  }
0x97: {  	v6 =	vadd.s32 v38, v51;
	v3 =	vld.idx.msk [tilespmem:v3+s10+$0x0], $0xffff  }
0x98: {  	[tilespmem:s30+$0x200] =	vst.add.f32.msk $0xffff, v5  }
0x99: {  	v24 =	vimm.s32 $0xE;
	v5 =	vadd.s32 v38, v50;
	[tilespmem:s31+$0x100] =	vst.add.f32.msk $0xffff, v4  }
0x9a: {  	v41 =	vperm.xlane v1, v24;
	v7 =	vld.idx.msk [tilespmem:v8+s10+$0x0], $0xffff  }
0x9b: {  	v8 =	vld.idx.msk [tilespmem:v59+s10+$0x0], $0xffff  }
0x9c: {  	v4 =	vadd.s32 v41, v0;
	v6 =	vld.idx.msk [tilespmem:v6+s10+$0x0], $0xffff  }
0x9d: {  	v60 =	vadd.s32 v38, v49;
	[tilespmem:s1+$0x100] =	vst.add.f32.msk $0xffff, v3  }
0x9e: {  	v25 =	vimm.s32 $0xF;
	v3 =	vld.idx.msk [tilespmem:v5+s10+$0x0], $0xffff  }
0x9f: {  	v42 =	vperm.xlane v1, v25;
	v1 =	vadd.s32 v39, v51;
	[tilespmem:s30+$0x280] =	vst.add.f32.msk $0xffff, v7  }
0xa0: {  	[tilespmem:s12+$0x100] =	vst.add.f32.msk $0xffff, v8  }
0xa1: {  	v4 =	vld.idx.msk [tilespmem:v4+s10+$0x0], $0xffff  }
0xa2: {  	v7 =	vld.idx.msk [tilespmem:v60+s10+$0x0], $0xffff  }
0xa3: {  	v5 =	vadd.s32 v42, v0;
	[tilespmem:s31+$0x180] =	vst.add.f32.msk $0xffff, v6  }
0xa4: {  	v6 =	vadd.s32 v39, v50;
	v8 =	vld.idx.msk [tilespmem:v1+s10+$0x0], $0xffff  }
0xa5: {  	[tilespmem:s1+$0x180] =	vst.add.f32.msk $0xffff, v3  }
0xa6: {  	v1 =	vshll.u32 v2, $0xA;
	v2 =	vadd.s32 v40, v51;
	[tilespmem:s30+$0x300] =	vst.add.f32.msk $0xffff, v4  }
0xa7: {  	v3 =	vadd.s32 v39, v49;
	[tilespmem:s12+$0x180] =	vst.add.f32.msk $0xffff, v7  }
0xa8: {  	v11 =	vperm.xlane v1, v11;
	v4 =	vld.idx.msk [tilespmem:v5+s10+$0x0], $0xffff  }
0xa9: {  	v5 =	vld.idx.msk [tilespmem:v6+s10+$0x0], $0xffff  }
0xaa: {  	[tilespmem:s31+$0x200] =	vst.add.f32.msk $0xffff, v8;
	v6 =	vadd.s32 v11, v0  }
0xab: {  	v7 =	vadd.s32 v40, v50;
	v2 =	vld.idx.msk [tilespmem:v2+s10+$0x0], $0xffff  }
0xac: {  	v3 =	vld.idx.msk [tilespmem:v3+s10+$0x0], $0xffff  }
0xad: {  	[tilespmem:s30+$0x380] =	vst.add.f32.msk $0xffff, v4  }
0xae: {  	v8 =	vadd.s32 v40, v49;
	[tilespmem:s1+$0x200] =	vst.add.f32.msk $0xffff, v5  }
0xaf: {  	v12 =	vperm.xlane v1, v12;
	v4 =	vld.idx.msk [tilespmem:v6+s10+$0x0], $0xffff  }
0xb0: {  	v6 =	vld.idx.msk [tilespmem:v7+s10+$0x0], $0xffff  }
0xb1: {  	v5 =	vadd.s32 v12, v0;
	[tilespmem:s31+$0x280] =	vst.add.f32.msk $0xffff, v2  }
0xb2: {  	s23 =	sadd.s32 $0x4000, s22;
	[tilespmem:s12+$0x200] =	vst.add.f32.msk $0xffff, v3;
	v3 =	vadd.s32 v41, v51  }
0xb3: {  	s24 =	sadd.s32 s21, s23;
	v2 =	vadd.s32 v41, v50;
	v7 =	vld.idx.msk [tilespmem:v8+s10+$0x0], $0xffff  }
0xb4: {  	[tilespmem:s24+$0x0] =	vst.add.f32.msk $0xffff, v4  }
0xb5: {  	v4 =	vadd.s32 v41, v49;
	[tilespmem:s1+$0x280] =	vst.add.f32.msk $0xffff, v6  }
0xb6: {  	v13 =	vperm.xlane v1, v13;
	v5 =	vld.idx.msk [tilespmem:v5+s10+$0x0], $0xffff  }
0xb7: {  	v3 =	vld.idx.msk [tilespmem:v3+s10+$0x0], $0xffff  }
0xb8: {  	v6 =	vadd.s32 v13, v0;
	v2 =	vld.idx.msk [tilespmem:v2+s10+$0x0], $0xffff  }
0xb9: {  	[tilespmem:s12+$0x280] =	vst.add.f32.msk $0xffff, v7;
	v7 =	vadd.s32 v42, v51  }
0xba: {  	v4 =	vld.idx.msk [tilespmem:v4+s10+$0x0], $0xffff  }
0xbb: {  	[tilespmem:s24+$0x80] =	vst.add.f32.msk $0xffff, v5  }
0xbc: {  	v5 =	vadd.s32 v42, v50;
	[tilespmem:s31+$0x300] =	vst.add.f32.msk $0xffff, v3  }
0xbd: {  	v14 =	vperm.xlane v1, v14;
	v6 =	vld.idx.msk [tilespmem:v6+s10+$0x0], $0xffff  }
0xbe: {  	v3 =	vld.idx.msk [tilespmem:v7+s10+$0x0], $0xffff  }
0xbf: {  	[tilespmem:s1+$0x300] =	vst.add.f32.msk $0xffff, v2;
	v7 =	vadd.s32 v14, v0  }
0xc0: {  	v8 =	vadd.s32 v42, v49;
	[tilespmem:s12+$0x300] =	vst.add.f32.msk $0xffff, v4  }
0xc1: {  	v2 =	vadd.s32 v11, v51;
	v4 =	vld.idx.msk [tilespmem:v5+s10+$0x0], $0xffff  }
0xc2: {  	[tilespmem:s24+$0x100] =	vst.add.f32.msk $0xffff, v6  }
0xc3: {  	v5 =	vadd.s32 v11, v50;
	[tilespmem:s31+$0x380] =	vst.add.f32.msk $0xffff, v3  }
0xc4: {  	v6 =	vld.idx.msk [tilespmem:v7+s10+$0x0], $0xffff  }
0xc5: {  	v15 =	vperm.xlane v1, v15;
	v7 =	vld.idx.msk [tilespmem:v8+s10+$0x0], $0xffff  }
0xc6: {  	v2 =	vld.idx.msk [tilespmem:v2+s10+$0x0], $0xffff  }
0xc7: {  	v3 =	vadd.s32 v15, v0;
	[tilespmem:s1+$0x380] =	vst.add.f32.msk $0xffff, v4  }
0xc8: {  	v8 =	vadd.s32 v11, v49;
	v4 =	vld.idx.msk [tilespmem:v5+s10+$0x0], $0xffff  }
0xc9: {  	[tilespmem:s24+$0x180] =	vst.add.f32.msk $0xffff, v6  }
0xca: {  	s25 =	sadd.s32 s18, s23;
	v5 =	vadd.s32 v12, v51;
	[tilespmem:s12+$0x380] =	vst.add.f32.msk $0xffff, v7  }
0xcb: {  	[tilespmem:s25+$0x0] =	vst.add.f32.msk $0xffff, v2;
	v2 =	vadd.s32 v12, v50  }
0xcc: {  	v16 =	vperm.xlane v1, v16;
	v3 =	vld.idx.msk [tilespmem:v3+s10+$0x0], $0xffff  }
0xcd: {  	s26 =	sadd.s32 s19, s23;
	v7 =	vld.idx.msk [tilespmem:v8+s10+$0x0], $0xffff  }
0xce: {  	v6 =	vadd.s32 v16, v0;
	[tilespmem:s26+$0x0] =	vst.add.f32.msk $0xffff, v4  }
0xcf: {  	v4 =	vadd.s32 v12, v49;
	v5 =	vld.idx.msk [tilespmem:v5+s10+$0x0], $0xffff  }
0xd0: {  	v2 =	vld.idx.msk [tilespmem:v2+s10+$0x0], $0xffff  }
0xd1: {  	s29 =	sadd.s32 s20, s23;
	[tilespmem:s24+$0x200] =	vst.add.f32.msk $0xffff, v3  }
0xd2: {  	v17 =	vperm.xlane v1, v17;
	v3 =	vadd.s32 v13, v51;
	[tilespmem:s29+$0x0] =	vst.add.f32.msk $0xffff, v7  }
0xd3: {  	v6 =	vld.idx.msk [tilespmem:v6+s10+$0x0], $0xffff  }
0xd4: {  	v7 =	vadd.s32 v17, v0;
	v4 =	vld.idx.msk [tilespmem:v4+s10+$0x0], $0xffff  }
0xd5: {  	[tilespmem:s25+$0x80] =	vst.add.f32.msk $0xffff, v5  }
0xd6: {  	v5 =	vadd.s32 v13, v50;
	[tilespmem:s26+$0x80] =	vst.add.f32.msk $0xffff, v2  }
0xd7: {  	v8 =	vadd.s32 v13, v49;
	v3 =	vld.idx.msk [tilespmem:v3+s10+$0x0], $0xffff  }
0xd8: {  	v18 =	vperm.xlane v1, v18;
	[tilespmem:s24+$0x280] =	vst.add.f32.msk $0xffff, v6  }
0xd9: {  	v6 =	vld.idx.msk [tilespmem:v7+s10+$0x0], $0xffff  }
0xda: {  	v2 =	vadd.s32 v18, v0;
	[tilespmem:s29+$0x80] =	vst.add.f32.msk $0xffff, v4  }
0xdb: {  	v4 =	vadd.s32 v14, v51;
	v5 =	vld.idx.msk [tilespmem:v5+s10+$0x0], $0xffff  }
0xdc: {  	v7 =	vld.idx.msk [tilespmem:v8+s10+$0x0], $0xffff  }
0xdd: {  	[tilespmem:s25+$0x100] =	vst.add.f32.msk $0xffff, v3  }
0xde: {  	v3 =	vadd.s32 v14, v50;
	[tilespmem:s24+$0x300] =	vst.add.f32.msk $0xffff, v6  }
0xdf: {  	v6 =	vadd.s32 v14, v49;
	v2 =	vld.idx.msk [tilespmem:v2+s10+$0x0], $0xffff  }
0xe0: {  	v19 =	vperm.xlane v1, v19;
	v4 =	vld.idx.msk [tilespmem:v4+s10+$0x0], $0xffff  }
0xe1: {  	[tilespmem:s26+$0x100] =	vst.add.f32.msk $0xffff, v5  }
0xe2: {  	v5 =	vadd.s32 v19, v0;
	[tilespmem:s29+$0x100] =	vst.add.f32.msk $0xffff, v7  }
0xe3: {  	v7 =	vadd.s32 v15, v51;
	v3 =	vld.idx.msk [tilespmem:v3+s10+$0x0], $0xffff  }
0xe4: {  	v6 =	vld.idx.msk [tilespmem:v6+s10+$0x0], $0xffff  }
0xe5: {  	[tilespmem:s24+$0x380] =	vst.add.f32.msk $0xffff, v2  }
0xe6: {  	v2 =	vadd.s32 v15, v50;
	[tilespmem:s25+$0x180] =	vst.add.f32.msk $0xffff, v4  }
0xe7: {  	v20 =	vperm.xlane v1, v20;
	v5 =	vld.idx.msk [tilespmem:v5+s10+$0x0], $0xffff  }
0xe8: {  	v4 =	vld.idx.msk [tilespmem:v7+s10+$0x0], $0xffff  }
0xe9: {  	v7 =	vadd.s32 v20, v0;
	[tilespmem:s26+$0x180] =	vst.add.f32.msk $0xffff, v3  }
0xea: {  	s30 =	sadd.s32 $0x6000, s22;
	v8 =	vadd.s32 v15, v49;
	[tilespmem:s29+$0x180] =	vst.add.f32.msk $0xffff, v6  }
0xeb: {  	s31 =	sadd.s32 s21, s30;
	v3 =	vadd.s32 v16, v51;
	v2 =	vld.idx.msk [tilespmem:v2+s10+$0x0], $0xffff  }
0xec: {  	[tilespmem:s31+$0x0] =	vst.add.f32.msk $0xffff, v5  }
0xed: {  	v5 =	vadd.s32 v16, v50;
	[tilespmem:s25+$0x200] =	vst.add.f32.msk $0xffff, v4  }
0xee: {  	v6 =	vld.idx.msk [tilespmem:v7+s10+$0x0], $0xffff  }
0xef: {  	v10 =	vperm.xlane v1, v10;
	v7 =	vld.idx.msk [tilespmem:v8+s10+$0x0], $0xffff  }
0xf0: {  	v3 =	vld.idx.msk [tilespmem:v3+s10+$0x0], $0xffff  }
0xf1: {  	v4 =	vadd.s32 v10, v0;
	[tilespmem:s26+$0x200] =	vst.add.f32.msk $0xffff, v2  }
0xf2: {  	v8 =	vadd.s32 v16, v49;
	v2 =	vld.idx.msk [tilespmem:v5+s10+$0x0], $0xffff  }
0xf3: {  	[tilespmem:s31+$0x80] =	vst.add.f32.msk $0xffff, v6  }
0xf4: {  	v5 =	vadd.s32 v17, v51;
	[tilespmem:s29+$0x200] =	vst.add.f32.msk $0xffff, v7  }
0xf5: {  	[tilespmem:s25+$0x280] =	vst.add.f32.msk $0xffff, v3;
	v3 =	vadd.s32 v17, v50  }
0xf6: {  	v21 =	vperm.xlane v1, v21;
	v4 =	vld.idx.msk [tilespmem:v4+s10+$0x0], $0xffff  }
0xf7: {  	v7 =	vld.idx.msk [tilespmem:v8+s10+$0x0], $0xffff  }
0xf8: {  	v6 =	vadd.s32 v21, v0;
	[tilespmem:s26+$0x280] =	vst.add.f32.msk $0xffff, v2  }
0xf9: {  	v2 =	vadd.s32 v17, v49;
	v5 =	vld.idx.msk [tilespmem:v5+s10+$0x0], $0xffff  }
0xfa: {  	v3 =	vld.idx.msk [tilespmem:v3+s10+$0x0], $0xffff  }
0xfb: {  	[tilespmem:s31+$0x100] =	vst.add.f32.msk $0xffff, v4  }
0xfc: {  	v22 =	vperm.xlane v1, v22;
	v4 =	vadd.s32 v18, v51;
	[tilespmem:s29+$0x280] =	vst.add.f32.msk $0xffff, v7  }
0xfd: {  	v6 =	vld.idx.msk [tilespmem:v6+s10+$0x0], $0xffff  }
0xfe: {  	v7 =	vadd.s32 v22, v0;
	v2 =	vld.idx.msk [tilespmem:v2+s10+$0x0], $0xffff  }
0xff: {  	[tilespmem:s25+$0x300] =	vst.add.f32.msk $0xffff, v5  }
0x100: {  	v5 =	vadd.s32 v18, v50;
	[tilespmem:s26+$0x300] =	vst.add.f32.msk $0xffff, v3  }
0x101: {  	v8 =	vadd.s32 v18, v49;
	v4 =	vld.idx.msk [tilespmem:v4+s10+$0x0], $0xffff  }
0x102: {  	v23 =	vperm.xlane v1, v23;
	[tilespmem:s31+$0x180] =	vst.add.f32.msk $0xffff, v6  }
0x103: {  	v6 =	vld.idx.msk [tilespmem:v7+s10+$0x0], $0xffff  }
0x104: {  	v3 =	vadd.s32 v23, v0;
	[tilespmem:s29+$0x300] =	vst.add.f32.msk $0xffff, v2  }
0x105: {  	v2 =	vadd.s32 v19, v51;
	v5 =	vld.idx.msk [tilespmem:v5+s10+$0x0], $0xffff  }
0x106: {  	v7 =	vld.idx.msk [tilespmem:v8+s10+$0x0], $0xffff  }
0x107: {  	[tilespmem:s25+$0x380] =	vst.add.f32.msk $0xffff, v4  }
0x108: {  	v4 =	vadd.s32 v19, v50;
	[tilespmem:s31+$0x200] =	vst.add.f32.msk $0xffff, v6  }
0x109: {  	v6 =	vadd.s32 v19, v49;
	v3 =	vld.idx.msk [tilespmem:v3+s10+$0x0], $0xffff  }
0x10a: {  	v24 =	vperm.xlane v1, v24;
	v2 =	vld.idx.msk [tilespmem:v2+s10+$0x0], $0xffff  }
0x10b: {  	[tilespmem:s26+$0x380] =	vst.add.f32.msk $0xffff, v5  }
0x10c: {  	v5 =	vadd.s32 v24, v0;
	[tilespmem:s29+$0x380] =	vst.add.f32.msk $0xffff, v7  }
0x10d: {  	v7 =	vadd.s32 v20, v51;
	v4 =	vld.idx.msk [tilespmem:v4+s10+$0x0], $0xffff  }
0x10e: {  	v6 =	vld.idx.msk [tilespmem:v6+s10+$0x0], $0xffff  }
0x10f: {  	v25 =	vperm.xlane v1, v25;
	v1 =	vadd.s32 v20, v50;
	s23 =	sadd.s32 s18, s30;
	[tilespmem:s31+$0x280] =	vst.add.f32.msk $0xffff, v3  }
0x110: {  	[tilespmem:s23+$0x0] =	vst.add.f32.msk $0xffff, v2  }
0x111: {  	v3 =	vld.idx.msk [tilespmem:v5+s10+$0x0], $0xffff  }
0x112: {  	s22 =	sadd.s32 s19, s30;
	v2 =	vld.idx.msk [tilespmem:v7+s10+$0x0], $0xffff;
	v5 =	vadd.s32 v20, v49  }
0x113: {  	[tilespmem:s22+$0x0] =	vst.add.f32.msk $0xffff, v4  }
0x114: {  	s18 =	sadd.s32 s20, s30;
	v0 =	vadd.s32 v25, v0;
	v1 =	vld.idx.msk [tilespmem:v1+s10+$0x0], $0xffff  }
0x115: {  	v4 =	vadd.s32 v10, v51;
	[tilespmem:s18+$0x0] =	vst.add.f32.msk $0xffff, v6  }
0x116: {  	[tilespmem:s31+$0x300] =	vst.add.f32.msk $0xffff, v3  }
0x117: {  	v3 =	vadd.s32 v10, v50;
	v5 =	vld.idx.msk [tilespmem:v5+s10+$0x0], $0xffff  }
0x118: {  	[tilespmem:s23+$0x80] =	vst.add.f32.msk $0xffff, v2  }
0x119: {  	v0 =	vld.idx.msk [tilespmem:v0+s10+$0x0], $0xffff  }
0x11a: {  	v2 =	vadd.s32 v10, v49;
	v4 =	vld.idx.msk [tilespmem:v4+s10+$0x0], $0xffff  }
0x11b: {  	[tilespmem:s22+$0x80] =	vst.add.f32.msk $0xffff, v1  }
0x11c: {  	v1 =	vadd.s32 v21, v51;
	v3 =	vld.idx.msk [tilespmem:v3+s10+$0x0], $0xffff  }
0x11d: {  	[tilespmem:s18+$0x80] =	vst.add.f32.msk $0xffff, v5  }
0x11e: {  	[tilespmem:s31+$0x380] =	vst.add.f32.msk $0xffff, v0;
	v0 =	vadd.s32 v21, v50  }
0x11f: {  	v2 =	vld.idx.msk [tilespmem:v2+s10+$0x0], $0xffff  }
0x120: {  	v5 =	vadd.s32 v21, v49;
	[tilespmem:s23+$0x100] =	vst.add.f32.msk $0xffff, v4  }
0x121: {  	v1 =	vld.idx.msk [tilespmem:v1+s10+$0x0], $0xffff  }
0x122: {  	v4 =	vadd.s32 v22, v51;
	[tilespmem:s22+$0x100] =	vst.add.f32.msk $0xffff, v3  }
0x123: {  	v0 =	vld.idx.msk [tilespmem:v0+s10+$0x0], $0xffff  }
0x124: {  	v3 =	vadd.s32 v22, v50;
	[tilespmem:s18+$0x100] =	vst.add.f32.msk $0xffff, v2  }
0x125: {  	v2 =	vld.idx.msk [tilespmem:v5+s10+$0x0], $0xffff  }
0x126: {  	v5 =	vadd.s32 v22, v49;
	[tilespmem:s23+$0x180] =	vst.add.f32.msk $0xffff, v1  }
0x127: {  	v1 =	vld.idx.msk [tilespmem:v4+s10+$0x0], $0xffff  }
0x128: {  	v4 =	vadd.s32 v23, v51;
	[tilespmem:s22+$0x180] =	vst.add.f32.msk $0xffff, v0  }
0x129: {  	v0 =	vld.idx.msk [tilespmem:v3+s10+$0x0], $0xffff  }
0x12a: {  	v3 =	vadd.s32 v23, v50;
	[tilespmem:s18+$0x180] =	vst.add.f32.msk $0xffff, v2  }
0x12b: {  	v2 =	vld.idx.msk [tilespmem:v5+s10+$0x0], $0xffff  }
0x12c: {  	v5 =	vadd.s32 v23, v49;
	[tilespmem:s23+$0x200] =	vst.add.f32.msk $0xffff, v1  }
0x12d: {  	v1 =	vld.idx.msk [tilespmem:v4+s10+$0x0], $0xffff  }
0x12e: {  	v4 =	vadd.s32 v24, v51;
	[tilespmem:s22+$0x200] =	vst.add.f32.msk $0xffff, v0  }
0x12f: {  	v0 =	vld.idx.msk [tilespmem:v3+s10+$0x0], $0xffff  }
0x130: {  	v6 =	vadd.s32 v24, v50;
	[tilespmem:s18+$0x200] =	vst.add.f32.msk $0xffff, v2  }
0x131: {  	v2 =	vld.idx.msk [tilespmem:v5+s10+$0x0], $0xffff  }
0x132: {  	s21 =	simm.s32 $0x60;
	v5 =	vadd.s32 v24, v49;
	[tilespmem:s23+$0x280] =	vst.add.f32.msk $0xffff, v1  }
0x133: {  	v3 =	vor.u32 s21, v26;
	v4 =	vld.idx.msk [tilespmem:v4+s10+$0x0], $0xffff  }
0x134: {  	v7 =	vadd.s32 v27, v3;
	[tilespmem:s22+$0x280] =	vst.add.f32.msk $0xffff, v0  }
0x135: {  	s24 =	simm.s32 $0x40;
	v6 =	vld.idx.msk [tilespmem:v6+s10+$0x0], $0xffff  }
0x136: {  	v1 =	vor.u32 s24, v26;
	[tilespmem:s18+$0x280] =	vst.add.f32.msk $0xffff, v2  }
0x137: {  	s29 =	simm.s32 $0x50;
	v8 =	vadd.s32 v27, v1;
	v5 =	vld.idx.msk [tilespmem:v5+s10+$0x0], $0xffff  }
0x138: {  	v0 =	vor.u32 s29, v26;
	[tilespmem:s23+$0x300] =	vst.add.f32.msk $0xffff, v4  }
0x139: {  	s30 =	simm.s32 $0x70;
	v61 =	vadd.s32 v27, v0;
	v4 =	vld.idx.msk [tilespmem:v7+s10+$0x0], $0xffff  }
0x13a: {  	v2 =	vor.u32 s30, v26;
	[tilespmem:s22+$0x300] =	vst.add.f32.msk $0xffff, v6  }
0x13b: {  	s19 =	simm.s32 $0x200;
	v6 =	vadd.s32 v27, v2;
	[tilespmem:$0x1FE00] =	vst v27  }
0x13c: {  	s31 =	sand.u32 $0x1C00, s19;
	v7 =	vld.idx.msk [tilespmem:v8+s10+$0x0], $0xffff  }
0x13d: {  	s25 =	sand.u32 $0x60, s21;
	s26 =	sadd.s32 s31, s17;
	[tilespmem:s18+$0x300] =	vst.add.f32.msk $0xffff, v5;
	v5 =	vadd.s32 v28, v3  }
0x13e: {  	s11 =	sadd.s32 s25, s26;
	v8 =	vld.idx.msk [tilespmem:v61+s10+$0x0], $0xffff  }
0x13f: {  	s20 =	sand.u32 $0x40, s24;
	[tilespmem:s11+$0x0] =	vst.add.f32.msk $0xffff, v4;
	v4 =	vadd.s32 v28, v1  }
0x140: {  	s1 =	sadd.s32 s20, s26;
	v6 =	vld.idx.msk [tilespmem:v6+s10+$0x0], $0xffff  }
0x141: {  	s21 =	sand.u32 $0x50, s29;
	[tilespmem:s1+$0x0] =	vst.add.f32.msk $0xffff, v7  }
0x142: {  	s3 =	sadd.s32 s21, s26;
	v7 =	vadd.s32 v28, v0;
	v5 =	vld.idx.msk [tilespmem:v5+s10+$0x0], $0xffff  }
0x143: {  	s24 =	sand.u32 $0x70, s30;
	[tilespmem:s3+$0x0] =	vst.add.f32.msk $0xffff, v8  }
0x144: {  	s29 =	sadd.s32 s24, s26;
	v8 =	vadd.s32 v29, v3;
	v4 =	vld.idx.msk [tilespmem:v4+s10+$0x0], $0xffff  }
0x145: {  	[tilespmem:s29+$0x0] =	vst.add.f32.msk $0xffff, v6  }
0x146: {  	v6 =	vadd.s32 v28, v2;
	[tilespmem:$0x1FE10] =	vst v28  }
0x147: {  	v7 =	vld.idx.msk [tilespmem:v7+s10+$0x0], $0xffff  }
0x148: {  	[tilespmem:s11+$0x80] =	vst.add.f32.msk $0xffff, v5;
	v5 =	vadd.s32 v29, v1  }
0x149: {  	v8 =	vld.idx.msk [tilespmem:v8+s10+$0x0], $0xffff  }
0x14a: {  	[tilespmem:s1+$0x80] =	vst.add.f32.msk $0xffff, v4  }
0x14b: {  	v4 =	vadd.s32 v30, v3;
	v6 =	vld.idx.msk [tilespmem:v6+s10+$0x0], $0xffff  }
0x14c: {  	[tilespmem:s3+$0x80] =	vst.add.f32.msk $0xffff, v7  }
0x14d: {  	v7 =	vadd.s32 v29, v0;
	v5 =	vld.idx.msk [tilespmem:v5+s10+$0x0], $0xffff  }
0x14e: {  	[tilespmem:s11+$0x100] =	vst.add.f32.msk $0xffff, v8  }
0x14f: {  	v8 =	vadd.s32 v29, v2;
	[tilespmem:$0x1FE20] =	vst v29  }
0x150: {  	v4 =	vld.idx.msk [tilespmem:v4+s10+$0x0], $0xffff  }
0x151: {  	[tilespmem:s29+$0x80] =	vst.add.f32.msk $0xffff, v6;
	v6 =	vadd.s32 v30, v1  }
0x152: {  	v7 =	vld.idx.msk [tilespmem:v7+s10+$0x0], $0xffff  }
0x153: {  	[tilespmem:s1+$0x100] =	vst.add.f32.msk $0xffff, v5  }
0x154: {  	v5 =	vadd.s32 v31, v3;
	v8 =	vld.idx.msk [tilespmem:v8+s10+$0x0], $0xffff  }
0x155: {  	[tilespmem:s11+$0x180] =	vst.add.f32.msk $0xffff, v4  }
0x156: {  	v4 =	vadd.s32 v30, v0;
	v6 =	vld.idx.msk [tilespmem:v6+s10+$0x0], $0xffff  }
0x157: {  	[tilespmem:s3+$0x100] =	vst.add.f32.msk $0xffff, v7  }
0x158: {  	v7 =	vadd.s32 v30, v2;
	[tilespmem:$0x1FE30] =	vst v30  }
0x159: {  	v5 =	vld.idx.msk [tilespmem:v5+s10+$0x0], $0xffff  }
0x15a: {  	[tilespmem:s29+$0x100] =	vst.add.f32.msk $0xffff, v8;
	v8 =	vadd.s32 v32, v3  }
0x15b: {  	v4 =	vld.idx.msk [tilespmem:v4+s10+$0x0], $0xffff  }
0x15c: {  	[tilespmem:s1+$0x180] =	vst.add.f32.msk $0xffff, v6  }
0x15d: {  	v6 =	vadd.s32 v31, v1;
	v7 =	vld.idx.msk [tilespmem:v7+s10+$0x0], $0xffff  }
0x15e: {  	[tilespmem:s11+$0x200] =	vst.add.f32.msk $0xffff, v5  }
0x15f: {  	v5 =	vadd.s32 v31, v0;
	v8 =	vld.idx.msk [tilespmem:v8+s10+$0x0], $0xffff  }
0x160: {  	[tilespmem:s3+$0x180] =	vst.add.f32.msk $0xffff, v4  }
0x161: {  	v4 =	vadd.s32 v31, v2;
	[tilespmem:$0x1FE40] =	vst v31  }
0x162: {  	v6 =	vld.idx.msk [tilespmem:v6+s10+$0x0], $0xffff  }
0x163: {  	[tilespmem:s29+$0x180] =	vst.add.f32.msk $0xffff, v7;
	v7 =	vadd.s32 v33, v3  }
0x164: {  	v5 =	vld.idx.msk [tilespmem:v5+s10+$0x0], $0xffff  }
0x165: {  	[tilespmem:s11+$0x280] =	vst.add.f32.msk $0xffff, v8;
	v8 =	vadd.s32 v32, v1  }
0x166: {  	v4 =	vld.idx.msk [tilespmem:v4+s10+$0x0], $0xffff  }
0x167: {  	[tilespmem:s1+$0x200] =	vst.add.f32.msk $0xffff, v6  }
0x168: {  	v6 =	vadd.s32 v32, v0;
	v7 =	vld.idx.msk [tilespmem:v7+s10+$0x0], $0xffff  }
0x169: {  	[tilespmem:s3+$0x200] =	vst.add.f32.msk $0xffff, v5  }
0x16a: {  	v5 =	vadd.s32 v34, v3;
	v8 =	vld.idx.msk [tilespmem:v8+s10+$0x0], $0xffff  }
0x16b: {  	[tilespmem:s29+$0x200] =	vst.add.f32.msk $0xffff, v4  }
0x16c: {  	v4 =	vadd.s32 v32, v2;
	[tilespmem:$0x1FE50] =	vst v32  }
0x16d: {  	v6 =	vld.idx.msk [tilespmem:v6+s10+$0x0], $0xffff  }
0x16e: {  	[tilespmem:s11+$0x300] =	vst.add.f32.msk $0xffff, v7;
	v7 =	vadd.s32 v33, v1  }
0x16f: {  	v5 =	vld.idx.msk [tilespmem:v5+s10+$0x0], $0xffff  }
0x170: {  	[tilespmem:s1+$0x280] =	vst.add.f32.msk $0xffff, v8  }
0x171: {  	v8 =	vadd.s32 v33, v0;
	v4 =	vld.idx.msk [tilespmem:v4+s10+$0x0], $0xffff  }
0x172: {  	[tilespmem:s3+$0x280] =	vst.add.f32.msk $0xffff, v6  }
0x173: {  	v6 =	vadd.s32 v35, v3;
	v7 =	vld.idx.msk [tilespmem:v7+s10+$0x0], $0xffff  }
0x174: {  	[tilespmem:s11+$0x380] =	vst.add.f32.msk $0xffff, v5  }
0x175: {  	v5 =	vadd.s32 v33, v2;
	[tilespmem:$0x1FE60] =	vst v33  }
0x176: {  	v8 =	vld.idx.msk [tilespmem:v8+s10+$0x0], $0xffff  }
0x177: {  	[tilespmem:s29+$0x280] =	vst.add.f32.msk $0xffff, v4;
	v4 =	vadd.s32 v34, v1  }
0x178: {  	v6 =	vld.idx.msk [tilespmem:v6+s10+$0x0], $0xffff  }
0x179: {  	[tilespmem:s1+$0x300] =	vst.add.f32.msk $0xffff, v7  }
0x17a: {  	v7 =	vadd.s32 v36, v3;
	v5 =	vld.idx.msk [tilespmem:v5+s10+$0x0], $0xffff  }
0x17b: {  	s30 =	sadd.s32 $0x2000, s26;
	[tilespmem:s3+$0x300] =	vst.add.f32.msk $0xffff, v8  }
0x17c: {  	s31 =	sadd.s32 s25, s30;
	v8 =	vadd.s32 v34, v0;
	v4 =	vld.idx.msk [tilespmem:v4+s10+$0x0], $0xffff  }
0x17d: {  	[tilespmem:s31+$0x0] =	vst.add.f32.msk $0xffff, v6  }
0x17e: {  	v6 =	vadd.s32 v34, v2;
	[tilespmem:$0x1FE70] =	vst v34  }
0x17f: {  	v7 =	vld.idx.msk [tilespmem:v7+s10+$0x0], $0xffff  }
0x180: {  	[tilespmem:s29+$0x300] =	vst.add.f32.msk $0xffff, v5;
	v5 =	vadd.s32 v35, v1  }
0x181: {  	v8 =	vld.idx.msk [tilespmem:v8+s10+$0x0], $0xffff  }
0x182: {  	[tilespmem:s1+$0x380] =	vst.add.f32.msk $0xffff, v4  }
0x183: {  	v4 =	vadd.s32 v37, v3;
	v6 =	vld.idx.msk [tilespmem:v6+s10+$0x0], $0xffff  }
0x184: {  	[tilespmem:s31+$0x80] =	vst.add.f32.msk $0xffff, v7  }
0x185: {  	v7 =	vadd.s32 v35, v0;
	v5 =	vld.idx.msk [tilespmem:v5+s10+$0x0], $0xffff  }
0x186: {  	[tilespmem:s3+$0x380] =	vst.add.f32.msk $0xffff, v8  }
0x187: {  	v8 =	vadd.s32 v35, v2;
	[tilespmem:$0x1FE80] =	vst v35  }
0x188: {  	v4 =	vld.idx.msk [tilespmem:v4+s10+$0x0], $0xffff  }
0x189: {  	[tilespmem:s29+$0x380] =	vst.add.f32.msk $0xffff, v6;
	v6 =	vadd.s32 v38, v3  }
0x18a: {  	s3 =	sadd.s32 s20, s30;
	v7 =	vld.idx.msk [tilespmem:v7+s10+$0x0], $0xffff  }
0x18b: {  	[tilespmem:s3+$0x0] =	vst.add.f32.msk $0xffff, v5  }
0x18c: {  	v5 =	vadd.s32 v36, v1;
	v8 =	vld.idx.msk [tilespmem:v8+s10+$0x0], $0xffff  }
0x18d: {  	[tilespmem:s31+$0x100] =	vst.add.f32.msk $0xffff, v4  }
0x18e: {  	s1 =	sadd.s32 s21, s30;
	v4 =	vadd.s32 v36, v0;
	v6 =	vld.idx.msk [tilespmem:v6+s10+$0x0], $0xffff  }
0x18f: {  	[tilespmem:s1+$0x0] =	vst.add.f32.msk $0xffff, v7  }
0x190: {  	v7 =	vadd.s32 v36, v2;
	[tilespmem:$0x1FE90] =	vst v36  }
0x191: {  	s29 =	sadd.s32 s24, s30;
	v5 =	vld.idx.msk [tilespmem:v5+s10+$0x0], $0xffff  }
0x192: {  	[tilespmem:s29+$0x0] =	vst.add.f32.msk $0xffff, v8;
	v8 =	vadd.s32 v39, v3  }
0x193: {  	v4 =	vld.idx.msk [tilespmem:v4+s10+$0x0], $0xffff  }
0x194: {  	[tilespmem:s31+$0x180] =	vst.add.f32.msk $0xffff, v6;
	v6 =	vadd.s32 v37, v1  }
0x195: {  	v7 =	vld.idx.msk [tilespmem:v7+s10+$0x0], $0xffff  }
0x196: {  	[tilespmem:s3+$0x80] =	vst.add.f32.msk $0xffff, v5  }
0x197: {  	v5 =	vadd.s32 v37, v0;
	v8 =	vld.idx.msk [tilespmem:v8+s10+$0x0], $0xffff  }
0x198: {  	[tilespmem:s1+$0x80] =	vst.add.f32.msk $0xffff, v4  }
0x199: {  	v4 =	vadd.s32 v40, v3;
	v6 =	vld.idx.msk [tilespmem:v6+s10+$0x0], $0xffff  }
0x19a: {  	[tilespmem:s29+$0x80] =	vst.add.f32.msk $0xffff, v7  }
0x19b: {  	v7 =	vadd.s32 v37, v2;
	[tilespmem:$0x1FEA0] =	vst v37  }
0x19c: {  	v5 =	vld.idx.msk [tilespmem:v5+s10+$0x0], $0xffff  }
0x19d: {  	[tilespmem:s31+$0x200] =	vst.add.f32.msk $0xffff, v8;
	v8 =	vadd.s32 v38, v1  }
0x19e: {  	v4 =	vld.idx.msk [tilespmem:v4+s10+$0x0], $0xffff  }
0x19f: {  	[tilespmem:s3+$0x100] =	vst.add.f32.msk $0xffff, v6  }
0x1a0: {  	v6 =	vadd.s32 v38, v0;
	v7 =	vld.idx.msk [tilespmem:v7+s10+$0x0], $0xffff  }
0x1a1: {  	[tilespmem:s1+$0x100] =	vst.add.f32.msk $0xffff, v5  }
0x1a2: {  	v5 =	vadd.s32 v41, v3;
	v8 =	vld.idx.msk [tilespmem:v8+s10+$0x0], $0xffff  }
0x1a3: {  	[tilespmem:s31+$0x280] =	vst.add.f32.msk $0xffff, v4  }
0x1a4: {  	v4 =	vadd.s32 v38, v2;
	[tilespmem:$0x1FEB0] =	vst v38  }
0x1a5: {  	v6 =	vld.idx.msk [tilespmem:v6+s10+$0x0], $0xffff  }
0x1a6: {  	[tilespmem:s29+$0x100] =	vst.add.f32.msk $0xffff, v7;
	v7 =	vadd.s32 v39, v1  }
0x1a7: {  	v5 =	vld.idx.msk [tilespmem:v5+s10+$0x0], $0xffff  }
0x1a8: {  	[tilespmem:s3+$0x180] =	vst.add.f32.msk $0xffff, v8  }
0x1a9: {  	v8 =	vadd.s32 v42, v3;
	v4 =	vld.idx.msk [tilespmem:v4+s10+$0x0], $0xffff  }
0x1aa: {  	[tilespmem:s1+$0x180] =	vst.add.f32.msk $0xffff, v6  }
0x1ab: {  	v6 =	vadd.s32 v39, v0;
	v7 =	vld.idx.msk [tilespmem:v7+s10+$0x0], $0xffff  }
0x1ac: {  	[tilespmem:s31+$0x300] =	vst.add.f32.msk $0xffff, v5  }
0x1ad: {  	v5 =	vadd.s32 v39, v2;
	[tilespmem:$0x1FEC0] =	vst v39  }
0x1ae: {  	v8 =	vld.idx.msk [tilespmem:v8+s10+$0x0], $0xffff  }
0x1af: {  	[tilespmem:s29+$0x180] =	vst.add.f32.msk $0xffff, v4;
	v4 =	vadd.s32 v40, v1  }
0x1b0: {  	v6 =	vld.idx.msk [tilespmem:v6+s10+$0x0], $0xffff  }
0x1b1: {  	[tilespmem:s3+$0x200] =	vst.add.f32.msk $0xffff, v7  }
0x1b2: {  	v7 =	vadd.s32 v11, v3;
	v5 =	vld.idx.msk [tilespmem:v5+s10+$0x0], $0xffff  }
0x1b3: {  	[tilespmem:s31+$0x380] =	vst.add.f32.msk $0xffff, v8  }
0x1b4: {  	v8 =	vadd.s32 v40, v0;
	v4 =	vld.idx.msk [tilespmem:v4+s10+$0x0], $0xffff  }
0x1b5: {  	[tilespmem:s1+$0x200] =	vst.add.f32.msk $0xffff, v6  }
0x1b6: {  	v6 =	vadd.s32 v40, v2;
	[tilespmem:$0x1FED0] =	vst v40  }
0x1b7: {  	v7 =	vld.idx.msk [tilespmem:v7+s10+$0x0], $0xffff  }
0x1b8: {  	[tilespmem:s29+$0x200] =	vst.add.f32.msk $0xffff, v5;
	v5 =	vadd.s32 v12, v3  }
0x1b9: {  	v8 =	vld.idx.msk [tilespmem:v8+s10+$0x0], $0xffff  }
0x1ba: {  	s30 =	sadd.s32 $0x4000, s26;
	[tilespmem:s3+$0x280] =	vst.add.f32.msk $0xffff, v4  }
0x1bb: {  	s31 =	sadd.s32 s25, s30;
	v4 =	vadd.s32 v41, v1;
	v6 =	vld.idx.msk [tilespmem:v6+s10+$0x0], $0xffff  }
0x1bc: {  	[tilespmem:s31+$0x0] =	vst.add.f32.msk $0xffff, v7  }
0x1bd: {  	v7 =	vadd.s32 v41, v0;
	v5 =	vld.idx.msk [tilespmem:v5+s10+$0x0], $0xffff  }
0x1be: {  	[tilespmem:s1+$0x280] =	vst.add.f32.msk $0xffff, v8  }
0x1bf: {  	v8 =	vadd.s32 v41, v2;
	[tilespmem:$0x1FEE0] =	vst v41  }
0x1c0: {  	v4 =	vld.idx.msk [tilespmem:v4+s10+$0x0], $0xffff  }
0x1c1: {  	[tilespmem:s29+$0x280] =	vst.add.f32.msk $0xffff, v6;
	v6 =	vadd.s32 v13, v3  }
0x1c2: {  	v7 =	vld.idx.msk [tilespmem:v7+s10+$0x0], $0xffff  }
0x1c3: {  	[tilespmem:s31+$0x80] =	vst.add.f32.msk $0xffff, v5;
	v5 =	vadd.s32 v42, v1  }
0x1c4: {  	v8 =	vld.idx.msk [tilespmem:v8+s10+$0x0], $0xffff  }
0x1c5: {  	[tilespmem:s3+$0x300] =	vst.add.f32.msk $0xffff, v4  }
0x1c6: {  	v4 =	vadd.s32 v42, v0;
	v6 =	vld.idx.msk [tilespmem:v6+s10+$0x0], $0xffff  }
0x1c7: {  	[tilespmem:s1+$0x300] =	vst.add.f32.msk $0xffff, v7  }
0x1c8: {  	v7 =	vadd.s32 v14, v3;
	v5 =	vld.idx.msk [tilespmem:v5+s10+$0x0], $0xffff  }
0x1c9: {  	[tilespmem:s29+$0x300] =	vst.add.f32.msk $0xffff, v8  }
0x1ca: {  	v8 =	vadd.s32 v42, v2;
	[tilespmem:$0x1FEF0] =	vst v42  }
0x1cb: {  	v4 =	vld.idx.msk [tilespmem:v4+s10+$0x0], $0xffff  }
0x1cc: {  	[tilespmem:s31+$0x100] =	vst.add.f32.msk $0xffff, v6;
	v6 =	vadd.s32 v11, v1  }
0x1cd: {  	v7 =	vld.idx.msk [tilespmem:v7+s10+$0x0], $0xffff  }
0x1ce: {  	[tilespmem:s3+$0x380] =	vst.add.f32.msk $0xffff, v5  }
0x1cf: {  	v5 =	vadd.s32 v11, v0;
	v8 =	vld.idx.msk [tilespmem:v8+s10+$0x0], $0xffff  }
0x1d0: {  	[tilespmem:s1+$0x380] =	vst.add.f32.msk $0xffff, v4  }
0x1d1: {  	v4 =	vadd.s32 v15, v3;
	v6 =	vld.idx.msk [tilespmem:v6+s10+$0x0], $0xffff  }
0x1d2: {  	[tilespmem:s31+$0x180] =	vst.add.f32.msk $0xffff, v7  }
0x1d3: {  	v7 =	vadd.s32 v11, v2;
	[tilespmem:$0x1FF00] =	vst v11  }
0x1d4: {  	v5 =	vld.idx.msk [tilespmem:v5+s10+$0x0], $0xffff  }
0x1d5: {  	[tilespmem:s29+$0x380] =	vst.add.f32.msk $0xffff, v8;
	v8 =	vadd.s32 v12, v1  }
0x1d6: {  	s0 =	sadd.s32 s20, s30;
	v4 =	vld.idx.msk [tilespmem:v4+s10+$0x0], $0xffff  }
0x1d7: {  	[tilespmem:s0+$0x0] =	vst.add.f32.msk $0xffff, v6  }
0x1d8: {  	s3 =	sadd.s32 s21, s30;
	v6 =	vadd.s32 v16, v3;
	v7 =	vld.idx.msk [tilespmem:v7+s10+$0x0], $0xffff  }
0x1d9: {  	[tilespmem:s3+$0x0] =	vst.add.f32.msk $0xffff, v5  }
0x1da: {  	v5 =	vadd.s32 v12, v0;
	v8 =	vld.idx.msk [tilespmem:v8+s10+$0x0], $0xffff  }
0x1db: {  	[tilespmem:s31+$0x200] =	vst.add.f32.msk $0xffff, v4  }
0x1dc: {  	v4 =	vadd.s32 v12, v2;
	[tilespmem:$0x1FF10] =	vst v12  }
0x1dd: {  	s29 =	sadd.s32 s24, s30;
	v6 =	vld.idx.msk [tilespmem:v6+s10+$0x0], $0xffff  }
0x1de: {  	[tilespmem:s29+$0x0] =	vst.add.f32.msk $0xffff, v7;
	v7 =	vadd.s32 v13, v1  }
0x1df: {  	v5 =	vld.idx.msk [tilespmem:v5+s10+$0x0], $0xffff  }
0x1e0: {  	[tilespmem:s0+$0x80] =	vst.add.f32.msk $0xffff, v8  }
0x1e1: {  	v8 =	vadd.s32 v17, v3;
	v4 =	vld.idx.msk [tilespmem:v4+s10+$0x0], $0xffff  }
0x1e2: {  	[tilespmem:s31+$0x280] =	vst.add.f32.msk $0xffff, v6  }
0x1e3: {  	v6 =	vadd.s32 v13, v0;
	v7 =	vld.idx.msk [tilespmem:v7+s10+$0x0], $0xffff  }
0x1e4: {  	[tilespmem:s3+$0x80] =	vst.add.f32.msk $0xffff, v5  }
0x1e5: {  	v5 =	vadd.s32 v13, v2;
	[tilespmem:$0x1FF20] =	vst v13  }
0x1e6: {  	v8 =	vld.idx.msk [tilespmem:v8+s10+$0x0], $0xffff  }
0x1e7: {  	[tilespmem:s29+$0x80] =	vst.add.f32.msk $0xffff, v4;
	v4 =	vadd.s32 v18, v3  }
0x1e8: {  	v6 =	vld.idx.msk [tilespmem:v6+s10+$0x0], $0xffff  }
0x1e9: {  	[tilespmem:s0+$0x100] =	vst.add.f32.msk $0xffff, v7  }
0x1ea: {  	v7 =	vadd.s32 v14, v1;
	v5 =	vld.idx.msk [tilespmem:v5+s10+$0x0], $0xffff  }
0x1eb: {  	[tilespmem:s31+$0x300] =	vst.add.f32.msk $0xffff, v8  }
0x1ec: {  	v8 =	vadd.s32 v14, v0;
	v4 =	vld.idx.msk [tilespmem:v4+s10+$0x0], $0xffff  }
0x1ed: {  	[tilespmem:s3+$0x100] =	vst.add.f32.msk $0xffff, v6  }
0x1ee: {  	v6 =	vadd.s32 v14, v2;
	[tilespmem:$0x1FF30] =	vst v14  }
0x1ef: {  	v7 =	vld.idx.msk [tilespmem:v7+s10+$0x0], $0xffff  }
0x1f0: {  	[tilespmem:s29+$0x100] =	vst.add.f32.msk $0xffff, v5;
	v5 =	vadd.s32 v19, v3  }
0x1f1: {  	v8 =	vld.idx.msk [tilespmem:v8+s10+$0x0], $0xffff  }
0x1f2: {  	[tilespmem:s31+$0x380] =	vst.add.f32.msk $0xffff, v4;
	v4 =	vadd.s32 v15, v1  }
0x1f3: {  	v6 =	vld.idx.msk [tilespmem:v6+s10+$0x0], $0xffff  }
0x1f4: {  	[tilespmem:s0+$0x180] =	vst.add.f32.msk $0xffff, v7  }
0x1f5: {  	v7 =	vadd.s32 v15, v0;
	v5 =	vld.idx.msk [tilespmem:v5+s10+$0x0], $0xffff  }
0x1f6: {  	[tilespmem:s3+$0x180] =	vst.add.f32.msk $0xffff, v8  }
0x1f7: {  	v8 =	vadd.s32 v20, v3;
	v4 =	vld.idx.msk [tilespmem:v4+s10+$0x0], $0xffff  }
0x1f8: {  	[tilespmem:s29+$0x180] =	vst.add.f32.msk $0xffff, v6  }
0x1f9: {  	s30 =	sadd.s32 $0x6000, s26;
	v6 =	vadd.s32 v15, v2;
	[tilespmem:$0x1FF40] =	vst v15  }
0x1fa: {  	s31 =	sadd.s32 s25, s30;
	v7 =	vld.idx.msk [tilespmem:v7+s10+$0x0], $0xffff  }
0x1fb: {  	[tilespmem:s31+$0x0] =	vst.add.f32.msk $0xffff, v5;
	v5 =	vadd.s32 v16, v1  }
0x1fc: {  	v8 =	vld.idx.msk [tilespmem:v8+s10+$0x0], $0xffff  }
0x1fd: {  	[tilespmem:s0+$0x200] =	vst.add.f32.msk $0xffff, v4  }
0x1fe: {  	v4 =	vadd.s32 v16, v0;
	v6 =	vld.idx.msk [tilespmem:v6+s10+$0x0], $0xffff  }
0x1ff: {  	[tilespmem:s3+$0x200] =	vst.add.f32.msk $0xffff, v7  }
0x200: {  	v7 =	vadd.s32 v10, v3;
	v5 =	vld.idx.msk [tilespmem:v5+s10+$0x0], $0xffff  }
0x201: {  	[tilespmem:s31+$0x80] =	vst.add.f32.msk $0xffff, v8  }
0x202: {  	v8 =	vadd.s32 v16, v2;
	[tilespmem:$0x1FF50] =	vst v16  }
0x203: {  	v4 =	vld.idx.msk [tilespmem:v4+s10+$0x0], $0xffff  }
0x204: {  	[tilespmem:s29+$0x200] =	vst.add.f32.msk $0xffff, v6;
	v6 =	vadd.s32 v17, v1  }
0x205: {  	v7 =	vld.idx.msk [tilespmem:v7+s10+$0x0], $0xffff  }
0x206: {  	[tilespmem:s0+$0x280] =	vst.add.f32.msk $0xffff, v5  }
0x207: {  	v5 =	vadd.s32 v21, v3;
	v8 =	vld.idx.msk [tilespmem:v8+s10+$0x0], $0xffff  }
0x208: {  	[tilespmem:s3+$0x280] =	vst.add.f32.msk $0xffff, v4  }
0x209: {  	v4 =	vadd.s32 v17, v0;
	v6 =	vld.idx.msk [tilespmem:v6+s10+$0x0], $0xffff  }
0x20a: {  	[tilespmem:s31+$0x100] =	vst.add.f32.msk $0xffff, v7  }
0x20b: {  	v7 =	vadd.s32 v17, v2;
	[tilespmem:$0x1FF60] =	vst v17  }
0x20c: {  	v5 =	vld.idx.msk [tilespmem:v5+s10+$0x0], $0xffff  }
0x20d: {  	[tilespmem:s29+$0x280] =	vst.add.f32.msk $0xffff, v8;
	v8 =	vadd.s32 v18, v1  }
0x20e: {  	v4 =	vld.idx.msk [tilespmem:v4+s10+$0x0], $0xffff  }
0x20f: {  	[tilespmem:s0+$0x300] =	vst.add.f32.msk $0xffff, v6  }
0x210: {  	v6 =	vadd.s32 v22, v3;
	v7 =	vld.idx.msk [tilespmem:v7+s10+$0x0], $0xffff  }
0x211: {  	[tilespmem:s31+$0x180] =	vst.add.f32.msk $0xffff, v5  }
0x212: {  	v5 =	vadd.s32 v18, v0;
	v8 =	vld.idx.msk [tilespmem:v8+s10+$0x0], $0xffff  }
0x213: {  	[tilespmem:s3+$0x300] =	vst.add.f32.msk $0xffff, v4  }
0x214: {  	v4 =	vadd.s32 v18, v2;
	[tilespmem:$0x1FF70] =	vst v18  }
0x215: {  	v6 =	vld.idx.msk [tilespmem:v6+s10+$0x0], $0xffff  }
0x216: {  	[tilespmem:s29+$0x300] =	vst.add.f32.msk $0xffff, v7;
	v7 =	vadd.s32 v23, v3  }
0x217: {  	v5 =	vld.idx.msk [tilespmem:v5+s10+$0x0], $0xffff  }
0x218: {  	[tilespmem:s0+$0x380] =	vst.add.f32.msk $0xffff, v8  }
0x219: {  	v8 =	vadd.s32 v19, v1;
	v4 =	vld.idx.msk [tilespmem:v4+s10+$0x0], $0xffff  }
0x21a: {  	[tilespmem:s31+$0x200] =	vst.add.f32.msk $0xffff, v6  }
0x21b: {  	v6 =	vadd.s32 v19, v0;
	v7 =	vld.idx.msk [tilespmem:v7+s10+$0x0], $0xffff  }
0x21c: {  	[tilespmem:s3+$0x380] =	vst.add.f32.msk $0xffff, v5  }
0x21d: {  	v5 =	vadd.s32 v19, v2;
	[tilespmem:$0x1FF80] =	vst v19  }
0x21e: {  	v8 =	vld.idx.msk [tilespmem:v8+s10+$0x0], $0xffff  }
0x21f: {  	[tilespmem:s29+$0x380] =	vst.add.f32.msk $0xffff, v4;
	v4 =	vadd.s32 v24, v3  }
0x220: {  	v6 =	vld.idx.msk [tilespmem:v6+s10+$0x0], $0xffff  }
0x221: {  	[tilespmem:s31+$0x280] =	vst.add.f32.msk $0xffff, v7;
	v7 =	vadd.s32 v20, v1  }
0x222: {  	s20 =	sadd.s32 s20, s30;
	v5 =	vld.idx.msk [tilespmem:v5+s10+$0x0], $0xffff  }
0x223: {  	[tilespmem:s20+$0x0] =	vst.add.f32.msk $0xffff, v8  }
0x224: {  	s21 =	sadd.s32 s21, s30;
	v8 =	vadd.s32 v20, v0;
	v4 =	vld.idx.msk [tilespmem:v4+s10+$0x0], $0xffff  }
0x225: {  	[tilespmem:s21+$0x0] =	vst.add.f32.msk $0xffff, v6  }
0x226: {  	s28 =	sadd.s32 s24, s30;
	v3 =	vadd.s32 v25, v3;
	v6 =	vld.idx.msk [tilespmem:v7+s10+$0x0], $0xffff  }
0x227: {  	[tilespmem:s28+$0x0] =	vst.add.f32.msk $0xffff, v5  }
0x228: {  	v5 =	vadd.s32 v20, v2;
	[tilespmem:$0x1FF90] =	vst v20  }
0x229: {  	v7 =	vld.idx.msk [tilespmem:v8+s10+$0x0], $0xffff  }
0x22a: {  	[tilespmem:s31+$0x300] =	vst.add.f32.msk $0xffff, v4  }
0x22b: {  	v4 =	vadd.s32 v10, v1;
	v3 =	vld.idx.msk [tilespmem:v3+s10+$0x0], $0xffff  }
0x22c: {  	[tilespmem:s20+$0x80] =	vst.add.f32.msk $0xffff, v6  }
0x22d: {  	v6 =	vadd.s32 v10, v0;
	v5 =	vld.idx.msk [tilespmem:v5+s10+$0x0], $0xffff  }
0x22e: {  	[tilespmem:s21+$0x80] =	vst.add.f32.msk $0xffff, v7  }
0x22f: {  	v7 =	vadd.s32 v10, v2;
	[tilespmem:$0x1FFA0] =	vst v10  }
0x230: {  	v4 =	vld.idx.msk [tilespmem:v4+s10+$0x0], $0xffff  }
0x231: {  	[tilespmem:s31+$0x380] =	vst.add.f32.msk $0xffff, v3;
	v3 =	vadd.s32 v21, v1  }
0x232: {  	v6 =	vld.idx.msk [tilespmem:v6+s10+$0x0], $0xffff  }
0x233: {  	[tilespmem:s28+$0x80] =	vst.add.f32.msk $0xffff, v5  }
0x234: {  	v5 =	vadd.s32 v21, v0;
	v7 =	vld.idx.msk [tilespmem:v7+s10+$0x0], $0xffff  }
0x235: {  	[tilespmem:s20+$0x100] =	vst.add.f32.msk $0xffff, v4;
	v4 =	vadd.s32 v25, v51  }
0x236: {  	v3 =	vld.idx.msk [tilespmem:v3+s10+$0x0], $0xffff  }
0x237: {  	[tilespmem:s21+$0x100] =	vst.add.f32.msk $0xffff, v6  }
0x238: {  	v6 =	vadd.s32 v21, v2;
	[tilespmem:$0x1FFB0] =	vst v21  }
0x239: {  	v5 =	vld.idx.msk [tilespmem:v5+s10+$0x0], $0xffff  }
0x23a: {  	v4 =	vld.idx.msk [tilespmem:v4+s10+$0x0], $0xffff  }
0x23b: {  	[tilespmem:s28+$0x100] =	vst.add.f32.msk $0xffff, v7;
	v7 =	vadd.s32 v22, v1  }
0x23c: {  	[tilespmem:s20+$0x180] =	vst.add.f32.msk $0xffff, v3;
	v3 =	vadd.s32 v22, v0  }
0x23d: {  	v6 =	vld.idx.msk [tilespmem:v6+s10+$0x0], $0xffff  }
0x23e: {  	[tilespmem:s21+$0x180] =	vst.add.f32.msk $0xffff, v5  }
0x23f: {  	v5 =	vadd.s32 v25, v50;
	[tilespmem:s23+$0x380] =	vst.add.f32.msk $0xffff, v4  }
0x240: {  	v7 =	vld.idx.msk [tilespmem:v7+s10+$0x0], $0xffff;
	[tilespmem:$0x1FFC0] =	vst v22  }
0x241: {  	v3 =	vld.idx.msk [tilespmem:v3+s10+$0x0], $0xffff  }
0x242: {  	v4 =	vadd.s32 v22, v2  }
0x243: {  	[tilespmem:s28+$0x180] =	vst.add.f32.msk $0xffff, v6;
	v6 =	vadd.s32 v23, v1  }
0x244: {  	v5 =	vld.idx.msk [tilespmem:v5+s10+$0x0], $0xffff  }
0x245: {  	v8 =	vadd.s32 v25, v49;
	[tilespmem:s20+$0x200] =	vst.add.f32.msk $0xffff, v7  }
0x246: {  	v7 =	vadd.s32 v23, v0;
	[tilespmem:s21+$0x200] =	vst.add.f32.msk $0xffff, v3  }
0x247: {  	v4 =	vld.idx.msk [tilespmem:v4+s10+$0x0], $0xffff;
	[tilespmem:$0x1FFD0] =	vst v23  }
0x248: {  	v6 =	vld.idx.msk [tilespmem:v6+s10+$0x0], $0xffff  }
0x249: {  	v62 =	vadd.s32 v23, v2;
	[tilespmem:s22+$0x380] =	vst.add.f32.msk $0xffff, v5  }
0x24a: {  	v3 =	vld.idx.msk [tilespmem:v8+s10+$0x0], $0xffff  }
0x24b: {  	v63 =	vadd.s32 v24, v1;
	v5 =	vld.idx.msk [tilespmem:v7+s10+$0x0], $0xffff  }
0x24c: {  	[tilespmem:s28+$0x200] =	vst.add.f32.msk $0xffff, v4  }
0x24d: {  	[tilespmem:s20+$0x280] =	vst.add.f32.msk $0xffff, v6  }
0x24e: {  	v4 =	vld.idx.msk [tilespmem:v62+s10+$0x0], $0xffff;
	[tilespmem:$0x1FFE0] =	vst v24  }
0x24f: {  	v53 =	vadd.s32 v25, v1;
	v56 =	vadd.s32 v24, v0;
	[tilespmem:$0x1FFF0] =	vst v25  }
0x250: {  	v48 =	vadd.s32 v24, v2;
	s23 =	simm.s32 $0xB0;
	s22 =	simm.s32 $0x4;
	v6 =	vadd.s32 v25, v2;
	v24 =	vadd.s32 v25, v0;
	v0 =	vld.idx.msk [tilespmem:v63+s10+$0x0], $0xffff  }
.LBB2_3:
0x251: {  	[tilespmem:s21+$0x280] =	vst.add.f32.msk $0xffff, v5  }
0x252: {  	[tilespmem:$0x1FD50] =	vst v6;
	v6 =	vld [tilespmem:$0x1FE00]  }
0x253: {  	[tilespmem:s18+$0x380] =	vst.add.f32.msk $0xffff, v3  }
0x254: {  	v40 =	vmov v24;
	v24 =	vld [tilespmem:$0x1FE10]  }
0x255: {  	v23 =	vld [tilespmem:$0x1FEC0]  }
0x256: {  	s0 =	sadd.s32 $0xFFFFFFF0, s23;
	v9 =	vor.u32 s23, v26;
	v41 =	vld [tilespmem:$0x1FED0]  }
0x257: {  	s3 =	sadd.s32 $0xFFFFFFD0, s23;
	s18 =	smov.u32 s28;
	v51 =	vor.u32 s0, v26;
	v21 =	vld.idx.msk [tilespmem:v56+s10+$0x0], $0xffff;
	v1 =	vadd.s32 v6, v9  }
0x258: {  	s1 =	sadd.s32 $0xFFFFFFE0, s23;
	v56 =	vor.u32 s3, v26;
	[tilespmem:s18+$0x280] =	vst.add.f32.msk $0xffff, v4;
	v5 =	vadd.s32 v6, v51  }
0x259: {  	v12 =	vor.u32 s1, v26;
	v25 =	vld.idx.msk [tilespmem:v48+s10+$0x0], $0xffff;
	v3 =	vadd.s32 v6, v56  }
0x25a: {  	[tilespmem:s20+$0x300] =	vst.add.f32.msk $0xffff, v0;
	v2 =	vadd.s32 v6, v12  }
0x25b: {  	v0 =	vld.idx.msk [tilespmem:v53+s10+$0x0], $0xffff  }
0x25c: {  	v27 =	vld.idx.msk [tilespmem:v1+s10+$0x0], $0xffff  }
0x25d: {  	v28 =	vld.idx.msk [tilespmem:v5+s10+$0x0], $0xffff  }
0x25e: {  	v29 =	vld.idx.msk [tilespmem:v3+s10+$0x0], $0xffff  }
0x25f: {  	s19 =	sadd.s32 $0x200, s19;
	v30 =	vld.idx.msk [tilespmem:v2+s10+$0x0], $0xffff  }
0x260: {  	s26 =	sand.u32 $0x40, s3;
	s3 =	sand.u32 $0x1C00, s19;
	[tilespmem:$0x1FD90] =	vst v0;
	v0 =	vld [tilespmem:$0x1FEB0]  }
0x261: {  	s28 =	sand.u32 $0x60, s0;
	s29 =	sadd.s32 s3, s17;
	[tilespmem:s21+$0x300] =	vst.add.f32.msk $0xffff, v21  }
0x262: {  	s0 =	sadd.s32 s28, s29;
	v31 =	vadd.s32 v24, v51;
	[tilespmem:s18+$0x300] =	vst.add.f32.msk $0xffff, v25  }
0x263: {  	s25 =	sand.u32 $0x70, s23;
	s31 =	sadd.s32 s26, s29;
	v22 =	vadd.s32 v24, v56;
	[tilespmem:s0+$0x0] =	vst.add.f32.msk $0xffff, v28  }
0x264: {  	s24 =	sand.u32 $0x50, s1;
	s1 =	sadd.s32 s25, s29;
	v4 =	vadd.s32 v24, v9;
	[tilespmem:s31+$0x0] =	vst.add.f32.msk $0xffff, v29  }
0x265: {  	v52 =	vadd.s32 v24, v12;
	v24 =	vadd.s32 v0, v9;
	[tilespmem:s1+$0x0] =	vst.add.f32.msk $0xffff, v27  }
0x266: {  	v42 =	vld [tilespmem:$0x1FEE0];
	[tilespmem:$0x1FA50] =	vst v24;
	v24 =	vadd.s32 v41, v56  }
0x267: {  	v31 =	vld.idx.msk [tilespmem:v31+s10+$0x0], $0xffff;
	[tilespmem:$0x1FA90] =	vst v24;
	v24 =	vadd.s32 v23, v12  }
0x268: {  	v22 =	vld.idx.msk [tilespmem:v22+s10+$0x0], $0xffff;
	[tilespmem:$0x1FA70] =	vst v24;
	v24 =	vadd.s32 v23, v9  }
0x269: {  	v48 =	vld.idx.msk [tilespmem:v4+s10+$0x0], $0xffff;
	[tilespmem:$0x1FA80] =	vst v24;
	v24 =	vadd.s32 v41, v12  }
0x26a: {  	v32 =	vld [tilespmem:$0x1FE20];
	[tilespmem:$0x1FAA0] =	vst v24;
	v24 =	vadd.s32 v41, v9  }
0x26b: {  	v43 =	vld [tilespmem:$0x1FEF0];
	[tilespmem:$0x1FAB0] =	vst v24  }
0x26c: {  	[tilespmem:s0+$0x80] =	vst.add.f32.msk $0xffff, v31  }
0x26d: {  	[tilespmem:s31+$0x80] =	vst.add.f32.msk $0xffff, v22  }
0x26e: {  	v24 =	vadd.s32 v42, v56;
	[tilespmem:s1+$0x80] =	vst.add.f32.msk $0xffff, v48  }
0x26f: {  	v44 =	vld [tilespmem:$0x1FF00];
	[tilespmem:$0x1FAC0] =	vst v24;
	v24 =	vadd.s32 v42, v12  }
0x270: {  	[tilespmem:$0x1FAD0] =	vst v24;
	v24 =	vadd.s32 v42, v9  }
0x271: {  	[tilespmem:$0x1FAE0] =	vst v24;
	v24 =	vadd.s32 v43, v56  }
0x272: {  	v26 =	vld [tilespmem:$0x1FF10];
	[tilespmem:$0x1FAF0] =	vst v24;
	v24 =	vadd.s32 v43, v12  }
0x273: {  	[tilespmem:$0x1FB00] =	vst v24;
	v24 =	vadd.s32 v43, v9  }
0x274: {  	v20 =	vadd.s32 v32, v56;
	v21 =	vld [tilespmem:$0x1FF20];
	[tilespmem:$0x1FB10] =	vst v24;
	v24 =	vadd.s32 v44, v56  }
0x275: {  	v19 =	vadd.s32 v32, v9;
	[tilespmem:$0x1FB20] =	vst v24;
	v24 =	vadd.s32 v44, v12  }
0x276: {  	v33 =	vld [tilespmem:$0x1FE30];
	v25 =	vadd.s32 v32, v51;
	[tilespmem:$0x1FB30] =	vst v24;
	v24 =	vadd.s32 v44, v9  }
0x277: {  	[tilespmem:$0x1FB40] =	vst v24;
	v24 =	vadd.s32 v26, v56  }
0x278: {  	v50 =	vld [tilespmem:$0x1FE40];
	[tilespmem:$0x1FB50] =	vst v24;
	v24 =	vadd.s32 v26, v12  }
0x279: {  	v20 =	vld.idx.msk [tilespmem:v20+s10+$0x0], $0xffff;
	[tilespmem:$0x1FB60] =	vst v24;
	v24 =	vadd.s32 v21, v56  }
0x27a: {  	v19 =	vld.idx.msk [tilespmem:v19+s10+$0x0], $0xffff;
	[tilespmem:$0x1FB80] =	vst v24;
	v24 =	vadd.s32 v21, v12  }
0x27b: {  	v17 =	vadd.s32 v33, v9;
	[tilespmem:$0x1FB90] =	vst v24;
	v24 =	vld.idx.msk [tilespmem:v25+s10+$0x0], $0xffff;
	v25 =	vadd.s32 v21, v9  }
0x27c: {  	s30 =	sadd.s32 s24, s29;
	[tilespmem:$0x1FBA0] =	vst v25;
	v25 =	vld [tilespmem:$0x1FF30]  }
0x27d: {  	[tilespmem:s30+$0x0] =	vst.add.f32.msk $0xffff, v30  }
0x27e: {  	v52 =	vld.idx.msk [tilespmem:v52+s10+$0x0], $0xffff  }
0x27f: {  	v55 =	vadd.s32 v33, v56;
	v28 =	vadd.s32 v23, v56;
	[tilespmem:s1+$0x100] =	vst.add.f32.msk $0xffff, v19  }
0x280: {  	[tilespmem:$0x1FA60] =	vst v28;
	v17 =	vld.idx.msk [tilespmem:v17+s10+$0x0], $0xffff  }
0x281: {  	v14 =	vadd.s32 v50, v9;
	[tilespmem:s31+$0x100] =	vst.add.f32.msk $0xffff, v20;
	v27 =	vadd.s32 v25, v56  }
0x282: {  	v28 =	vld [tilespmem:$0x1FF60];
	[tilespmem:$0x1FBB0] =	vst v27;
	v27 =	vadd.s32 v25, v12  }
0x283: {  	v16 =	vadd.s32 v33, v12;
	v33 =	vadd.s32 v33, v51;
	[tilespmem:$0x1FBC0] =	vst v27;
	v27 =	vld [tilespmem:$0x1FF40]  }
0x284: {  	v20 =	vld.idx.msk [tilespmem:v55+s10+$0x0], $0xffff  }
0x285: {  	v47 =	vadd.s32 v26, v9;
	[tilespmem:s1+$0x180] =	vst.add.f32.msk $0xffff, v17  }
0x286: {  	[tilespmem:$0x1FB70] =	vst v47;
	v14 =	vld.idx.msk [tilespmem:v14+s10+$0x0], $0xffff  }
0x287: {  	[tilespmem:s0+$0x100] =	vst.add.f32.msk $0xffff, v24;
	v4 =	vadd.s32 v25, v9  }
0x288: {  	v24 =	vld.idx.msk [tilespmem:v33+s10+$0x0], $0xffff;
	[tilespmem:$0x1FBD0] =	vst v4;
	v4 =	vadd.s32 v27, v56  }
0x289: {  	v22 =	vld [tilespmem:$0x1FF50];
	[tilespmem:$0x1FBE0] =	vst v4;
	v4 =	vadd.s32 v27, v12  }
0x28a: {  	[tilespmem:$0x1FBF0] =	vst v4;
	v4 =	vld.idx.msk [tilespmem:v40+s10+$0x0], $0xffff  }
0x28b: {  	[tilespmem:s31+$0x180] =	vst.add.f32.msk $0xffff, v20  }
0x28c: {  	[tilespmem:s1+$0x200] =	vst.add.f32.msk $0xffff, v14  }
0x28d: {  	[tilespmem:s0+$0x180] =	vst.add.f32.msk $0xffff, v24  }
0x28e: {  	[tilespmem:s30+$0x80] =	vst.add.f32.msk $0xffff, v52  }
0x28f: {  	[tilespmem:$0x1FDD0] =	vst v4;
	v4 =	vadd.s32 v22, v56  }
0x290: {  	v52 =	vld [tilespmem:$0x1FF70];
	[tilespmem:$0x1FC10] =	vst v4;
	v4 =	vadd.s32 v22, v12  }
0x291: {  	[tilespmem:$0x1FC20] =	vst v4;
	v4 =	vadd.s32 v27, v9  }
0x292: {  	[tilespmem:$0x1FC00] =	vst v4;
	v4 =	vadd.s32 v28, v56  }
0x293: {  	v29 =	vld [tilespmem:$0x1FF80];
	[tilespmem:$0x1FC40] =	vst v4;
	v4 =	vadd.s32 v28, v12  }
0x294: {  	[tilespmem:$0x1FC50] =	vst v4;
	v4 =	vadd.s32 v22, v9  }
0x295: {  	[tilespmem:$0x1FC30] =	vst v4;
	v4 =	vadd.s32 v52, v56  }
0x296: {  	v30 =	vld [tilespmem:$0x1FF90];
	[tilespmem:$0x1FC70] =	vst v4;
	v4 =	vadd.s32 v52, v12  }
0x297: {  	[tilespmem:$0x1FC80] =	vst v4;
	v4 =	vadd.s32 v28, v9  }
0x298: {  	v34 =	vld [tilespmem:$0x1FE50];
	[tilespmem:$0x1FC60] =	vst v4;
	v4 =	vadd.s32 v29, v56  }
0x299: {  	v33 =	vld [tilespmem:$0x1FFA0];
	[tilespmem:$0x1FCA0] =	vst v4;
	v4 =	vadd.s32 v29, v12  }
0x29a: {  	v35 =	vld [tilespmem:$0x1FE60];
	[tilespmem:$0x1FCB0] =	vst v4;
	v4 =	vadd.s32 v52, v9  }
0x29b: {  	v37 =	vld [tilespmem:$0x1FE80];
	[tilespmem:$0x1FC90] =	vst v4;
	v4 =	vadd.s32 v30, v56  }
0x29c: {  	v31 =	vld [tilespmem:$0x1FFB0];
	[tilespmem:$0x1FCD0] =	vst v4;
	v4 =	vadd.s32 v30, v12  }
0x29d: {  	v38 =	vld [tilespmem:$0x1FE90];
	v18 =	vadd.s32 v32, v12;
	v15 =	vadd.s32 v50, v56;
	[tilespmem:$0x1FCE0] =	vst v4;
	v4 =	vadd.s32 v29, v9  }
0x29e: {  	v13 =	vadd.s32 v50, v12;
	v32 =	vadd.s32 v50, v51;
	v50 =	vld [tilespmem:$0x1FFC0];
	[tilespmem:$0x1FCC0] =	vst v4;
	v4 =	vadd.s32 v33, v56  }
0x29f: {  	v39 =	vld [tilespmem:$0x1FEA0];
	[tilespmem:$0x1FD00] =	vst v4;
	v4 =	vadd.s32 v33, v12  }
0x2a0: {  	v36 =	vld [tilespmem:$0x1FE70];
	v11 =	vadd.s32 v34, v56;
	v8 =	vadd.s32 v34, v12;
	[tilespmem:$0x1FD10] =	vst v4;
	v4 =	vadd.s32 v30, v9  }
0x2a1: {  	v7 =	vadd.s32 v35, v56;
	v6 =	vadd.s32 v35, v12;
	v40 =	vld [tilespmem:$0x1FFD0];
	[tilespmem:$0x1FCF0] =	vst v4;
	v4 =	vadd.s32 v31, v56  }
0x2a2: {  	v10 =	vadd.s32 v34, v9;
	v45 =	vadd.s32 v37, v56;
	v47 =	vld [tilespmem:$0x1FFF0];
	[tilespmem:$0x1FD30] =	vst v4;
	v4 =	vadd.s32 v33, v9  }
0x2a3: {  	v60 =	vadd.s32 v38, v56;
	v63 =	vadd.s32 v37, v12;
	[tilespmem:$0x1FD20] =	vst v4;
	v4 =	vadd.s32 v50, v56  }
0x2a4: {  	v58 =	vadd.s32 v39, v56;
	v61 =	vadd.s32 v38, v12;
	v55 =	vld [tilespmem:$0x1FFE0];
	[tilespmem:$0x1FD70] =	vst v4;
	v4 =	vadd.s32 v31, v12  }
0x2a5: {  	v59 =	vadd.s32 v39, v12;
	v1 =	vadd.s32 v36, v56;
	[tilespmem:$0x1FD40] =	vst v4;
	v4 =	vadd.s32 v31, v9  }
0x2a6: {  	v5 =	vadd.s32 v35, v9;
	v18 =	vld.idx.msk [tilespmem:v18+s10+$0x0], $0xffff;
	[tilespmem:$0x1FD60] =	vst v4;
	v4 =	vadd.s32 v40, v56  }
0x2a7: {  	v3 =	vadd.s32 v36, v12;
	v53 =	vadd.s32 v47, v56;
	[tilespmem:$0x1FDB0] =	vst v4;
	v4 =	vadd.s32 v50, v12  }
0x2a8: {  	v46 =	vadd.s32 v0, v56;
	v10 =	vld.idx.msk [tilespmem:v10+s10+$0x0], $0xffff;
	[tilespmem:$0x1FD80] =	vst v4;
	v4 =	vadd.s32 v50, v9  }
0x2a9: {  	v49 =	vadd.s32 v0, v12;
	v24 =	vadd.s32 v47, v12;
	[tilespmem:$0x1FDA0] =	vst v4;
	v4 =	vadd.s32 v55, v56  }
0x2aa: {  	v56 =	vadd.s32 v55, v12;
	[tilespmem:$0x1FDF0] =	vst v4;
	v4 =	vadd.s32 v40, v12;
	v12 =	vld.idx.msk [tilespmem:v32+s10+$0x0], $0xffff  }
0x2ab: {  	v34 =	vadd.s32 v34, v51;
	[tilespmem:s30+$0x100] =	vst.add.f32.msk $0xffff, v18  }
0x2ac: {  	v16 =	vld.idx.msk [tilespmem:v16+s10+$0x0], $0xffff  }
0x2ad: {  	[tilespmem:s1+$0x280] =	vst.add.f32.msk $0xffff, v10  }
0x2ae: {  	v54 =	vadd.s32 v37, v9;
	v62 =	vadd.s32 v38, v9;
	v5 =	vld.idx.msk [tilespmem:v5+s10+$0x0], $0xffff  }
0x2af: {  	v57 =	vadd.s32 v39, v9;
	v2 =	vadd.s32 v36, v9;
	v48 =	vadd.s32 v55, v9;
	[tilespmem:s0+$0x200] =	vst.add.f32.msk $0xffff, v12  }
0x2b0: {  	v32 =	vadd.s32 v47, v9;
	[tilespmem:$0x1FDC0] =	vst v4;
	v4 =	vadd.s32 v40, v9;
	v9 =	vld.idx.msk [tilespmem:v34+s10+$0x0], $0xffff  }
0x2b1: {  	v35 =	vadd.s32 v35, v51;
	[tilespmem:s30+$0x180] =	vst.add.f32.msk $0xffff, v16  }
0x2b2: {  	v13 =	vld.idx.msk [tilespmem:v13+s10+$0x0], $0xffff  }
0x2b3: {  	[tilespmem:s1+$0x300] =	vst.add.f32.msk $0xffff, v5  }
0x2b4: {  	v34 =	vld.idx.msk [tilespmem:v15+s10+$0x0], $0xffff  }
0x2b5: {  	[tilespmem:s0+$0x280] =	vst.add.f32.msk $0xffff, v9  }
0x2b6: {  	v9 =	vld.idx.msk [tilespmem:v35+s10+$0x0], $0xffff  }
0x2b7: {  	v36 =	vadd.s32 v36, v51;
	[tilespmem:s30+$0x200] =	vst.add.f32.msk $0xffff, v13  }
0x2b8: {  	v8 =	vld.idx.msk [tilespmem:v8+s10+$0x0], $0xffff  }
0x2b9: {  	[tilespmem:s31+$0x200] =	vst.add.f32.msk $0xffff, v34  }
0x2ba: {  	v11 =	vld.idx.msk [tilespmem:v11+s10+$0x0], $0xffff  }
0x2bb: {  	[tilespmem:s0+$0x300] =	vst.add.f32.msk $0xffff, v9  }
0x2bc: {  	v9 =	vld.idx.msk [tilespmem:v36+s10+$0x0], $0xffff  }
0x2bd: {  	v37 =	vadd.s32 v37, v51;
	[tilespmem:s30+$0x280] =	vst.add.f32.msk $0xffff, v8  }
0x2be: {  	v6 =	vld.idx.msk [tilespmem:v6+s10+$0x0], $0xffff  }
0x2bf: {  	[tilespmem:s31+$0x280] =	vst.add.f32.msk $0xffff, v11  }
0x2c0: {  	v7 =	vld.idx.msk [tilespmem:v7+s10+$0x0], $0xffff  }
0x2c1: {  	[tilespmem:s0+$0x380] =	vst.add.f32.msk $0xffff, v9  }
0x2c2: {  	v8 =	vld.idx.msk [tilespmem:v37+s10+$0x0], $0xffff  }
0x2c3: {  	v38 =	vadd.s32 v38, v51;
	v2 =	vld.idx.msk [tilespmem:v2+s10+$0x0], $0xffff  }
0x2c4: {  	[tilespmem:s30+$0x300] =	vst.add.f32.msk $0xffff, v6  }
0x2c5: {  	[tilespmem:s31+$0x300] =	vst.add.f32.msk $0xffff, v7;
	s0 =	sadd.s32 $0x2000, s29  }
0x2c6: {  	[tilespmem:$0x1FDE0] =	vst v4;
	v4 =	vld.idx.msk [tilespmem:v1+s10+$0x0], $0xffff;
	s3 =	sadd.s32 s28, s0  }
0x2c7: {  	[tilespmem:s3+$0x0] =	vst.add.f32.msk $0xffff, v8  }
0x2c8: {  	v6 =	vld.idx.msk [tilespmem:v38+s10+$0x0], $0xffff  }
0x2c9: {  	v5 =	vadd.s32 v39, v51;
	[tilespmem:s1+$0x380] =	vst.add.f32.msk $0xffff, v2  }
0x2ca: {  	v3 =	vld.idx.msk [tilespmem:v3+s10+$0x0], $0xffff  }
0x2cb: {  	[tilespmem:s31+$0x380] =	vst.add.f32.msk $0xffff, v4  }
0x2cc: {  	v1 =	vld.idx.msk [tilespmem:v45+s10+$0x0], $0xffff  }
0x2cd: {  	[tilespmem:s3+$0x80] =	vst.add.f32.msk $0xffff, v6  }
0x2ce: {  	v4 =	vld.idx.msk [tilespmem:v5+s10+$0x0], $0xffff  }
0x2cf: {  	[tilespmem:s30+$0x380] =	vst.add.f32.msk $0xffff, v3;
	v3 =	vadd.s32 v0, v51  }
0x2d0: {  	v2 =	vld.idx.msk [tilespmem:v63+s10+$0x0], $0xffff;
	s12 =	sadd.s32 s26, s0  }
0x2d1: {  	[tilespmem:s12+$0x0] =	vst.add.f32.msk $0xffff, v1  }
0x2d2: {  	v5 =	vld.idx.msk [tilespmem:v54+s10+$0x0], $0xffff  }
0x2d3: {  	[tilespmem:s3+$0x100] =	vst.add.f32.msk $0xffff, v4  }
0x2d4: {  	s11 =	sadd.s32 s24, s0;
	v1 =	vld.idx.msk [tilespmem:v3+s10+$0x0], $0xffff  }
0x2d5: {  	[tilespmem:s11+$0x0] =	vst.add.f32.msk $0xffff, v2;
	v2 =	vadd.s32 v23, v51  }
0x2d6: {  	s0 =	sadd.s32 s25, s0;
	v3 =	vld.idx.msk [tilespmem:v60+s10+$0x0], $0xffff  }
0x2d7: {  	[tilespmem:s0+$0x0] =	vst.add.f32.msk $0xffff, v5  }
0x2d8: {  	v5 =	vld.idx.msk [tilespmem:v62+s10+$0x0], $0xffff  }
0x2d9: {  	[tilespmem:s3+$0x180] =	vst.add.f32.msk $0xffff, v1  }
0x2da: {  	v1 =	vld.idx.msk [tilespmem:v2+s10+$0x0], $0xffff  }
0x2db: {  	[tilespmem:s12+$0x80] =	vst.add.f32.msk $0xffff, v3;
	v3 =	vadd.s32 v41, v51  }
0x2dc: {  	v4 =	vld.idx.msk [tilespmem:v61+s10+$0x0], $0xffff  }
0x2dd: {  	[tilespmem:s0+$0x80] =	vst.add.f32.msk $0xffff, v5  }
0x2de: {  	v2 =	vld.idx.msk [tilespmem:v58+s10+$0x0], $0xffff  }
0x2df: {  	[tilespmem:s3+$0x200] =	vst.add.f32.msk $0xffff, v1  }
0x2e0: {  	v1 =	vld.idx.msk [tilespmem:v3+s10+$0x0], $0xffff  }
0x2e1: {  	v3 =	vld.idx.msk [tilespmem:v57+s10+$0x0], $0xffff;
	_ =	sdelay $0x1  }
0x2e2: {  	[tilespmem:s11+$0x80] =	vst.add.f32.msk $0xffff, v4  }
0x2e3: {  	v4 =	vld.idx.msk [tilespmem:v59+s10+$0x0], $0xffff  }
0x2e4: {  	[tilespmem:s12+$0x100] =	vst.add.f32.msk $0xffff, v2  }
0x2e5: {  	[tilespmem:s0+$0x100] =	vst.add.f32.msk $0xffff, v3  }
0x2e6: {  	v2 =	vadd.s32 v42, v51;
	v3 =	vld [tilespmem:$0x1FA50]  }
0x2e7: {  	v0 =	vld.idx.msk [tilespmem:v46+s10+$0x0], $0xffff;
	_ =	sdelay $0x1  }
0x2e8: {  	[tilespmem:s11+$0x100] =	vst.add.f32.msk $0xffff, v4  }
0x2e9: {  	[tilespmem:s3+$0x280] =	vst.add.f32.msk $0xffff, v1  }
0x2ea: {  	v1 =	vld.idx.msk [tilespmem:v2+s10+$0x0], $0xffff  }
0x2eb: {  	[tilespmem:s12+$0x180] =	vst.add.f32.msk $0xffff, v0;
	v2 =	vadd.s32 v43, v51  }
0x2ec: {  	v0 =	vld [tilespmem:$0x1FA60]  }
0x2ed: {  	v3 =	vld.idx.msk [tilespmem:v3+s10+$0x0], $0xffff  }
0x2ee: {  	v4 =	vld.idx.msk [tilespmem:v49+s10+$0x0], $0xffff  }
0x2ef: {  	[tilespmem:s3+$0x300] =	vst.add.f32.msk $0xffff, v1  }
0x2f0: {  	v1 =	vld.idx.msk [tilespmem:v2+s10+$0x0], $0xffff  }
0x2f1: {  	v2 =	vld [tilespmem:$0x1FA70]  }
0x2f2: {  	[tilespmem:s0+$0x180] =	vst.add.f32.msk $0xffff, v3;
	v3 =	vadd.s32 v44, v51  }
0x2f3: {  	[tilespmem:s11+$0x180] =	vst.add.f32.msk $0xffff, v4  }
0x2f4: {  	v4 =	vld [tilespmem:$0x1FA80]  }
0x2f5: {  	v0 =	vld.idx.msk [tilespmem:v0+s10+$0x0], $0xffff  }
0x2f6: {  	[tilespmem:s3+$0x380] =	vst.add.f32.msk $0xffff, v1  }
0x2f7: {  	v1 =	vld.idx.msk [tilespmem:v3+s10+$0x0], $0xffff  }
0x2f8: {  	v3 =	vld [tilespmem:$0x1FAA0];
	_ =	sdelay $0x1  }
0x2f9: {  	v2 =	vld.idx.msk [tilespmem:v2+s10+$0x0], $0xffff;
	_ =	sdelay $0x1  }
0x2fa: {  	[tilespmem:s12+$0x200] =	vst.add.f32.msk $0xffff, v0  }
0x2fb: {  	v0 =	vld [tilespmem:$0x1FA90]  }
0x2fc: {  	v4 =	vld.idx.msk [tilespmem:v4+s10+$0x0], $0xffff  }
0x2fd: {  	[tilespmem:s11+$0x200] =	vst.add.f32.msk $0xffff, v2  }
0x2fe: {  	v3 =	vld.idx.msk [tilespmem:v3+s10+$0x0], $0xffff;
	_ =	sdelay $0x3  }
0x2ff: {  	[tilespmem:s0+$0x200] =	vst.add.f32.msk $0xffff, v4  }
0x300: {  	[tilespmem:s11+$0x280] =	vst.add.f32.msk $0xffff, v3  }
0x301: {  	v3 =	vld [tilespmem:$0x1FAD0]  }
0x302: {  	s30 =	sadd.s32 $0x4000, s29;
	v4 =	vld [tilespmem:$0x1FAB0]  }
0x303: {  	s3 =	sadd.s32 s28, s30;
	v0 =	vld.idx.msk [tilespmem:v0+s10+$0x0], $0xffff  }
0x304: {  	[tilespmem:s3+$0x0] =	vst.add.f32.msk $0xffff, v1  }
0x305: {  	v1 =	vld [tilespmem:$0x1FAC0]  }
0x306: {  	v2 =	vadd.s32 v26, v51;
	_ =	sdelay $0x2  }
0x307: {  	v3 =	vld.idx.msk [tilespmem:v3+s10+$0x0], $0xffff  }
0x308: {  	[tilespmem:s12+$0x280] =	vst.add.f32.msk $0xffff, v0  }
0x309: {  	v0 =	vld.idx.msk [tilespmem:v2+s10+$0x0], $0xffff  }
0x30a: {  	v4 =	vld.idx.msk [tilespmem:v4+s10+$0x0], $0xffff  }
0x30b: {  	v1 =	vld.idx.msk [tilespmem:v1+s10+$0x0], $0xffff  }
0x30c: {  	v2 =	vadd.s32 v21, v51;
	[tilespmem:s11+$0x300] =	vst.add.f32.msk $0xffff, v3  }
0x30d: {  	v3 =	vld [tilespmem:$0x1FB00]  }
0x30e: {  	[tilespmem:s3+$0x80] =	vst.add.f32.msk $0xffff, v0  }
0x30f: {  	[tilespmem:s0+$0x280] =	vst.add.f32.msk $0xffff, v4  }
0x310: {  	v4 =	vld [tilespmem:$0x1FAE0]  }
0x311: {  	v0 =	vld.idx.msk [tilespmem:v2+s10+$0x0], $0xffff  }
0x312: {  	v2 =	vadd.s32 v25, v51  }
0x313: {  	[tilespmem:s12+$0x300] =	vst.add.f32.msk $0xffff, v1  }
0x314: {  	v1 =	vld [tilespmem:$0x1FAF0]  }
0x315: {  	v3 =	vld.idx.msk [tilespmem:v3+s10+$0x0], $0xffff  }
0x316: {  	[tilespmem:s3+$0x100] =	vst.add.f32.msk $0xffff, v0  }
0x317: {  	v0 =	vld.idx.msk [tilespmem:v2+s10+$0x0], $0xffff  }
0x318: {  	v2 =	vld [tilespmem:$0x1FB10]  }
0x319: {  	v4 =	vld.idx.msk [tilespmem:v4+s10+$0x0], $0xffff  }
0x31a: {  	[tilespmem:s11+$0x380] =	vst.add.f32.msk $0xffff, v3  }
0x31b: {  	v3 =	vld [tilespmem:$0x1FB30];
	_ =	sdelay $0x3  }
0x31c: {  	v1 =	vld.idx.msk [tilespmem:v1+s10+$0x0], $0xffff  }
0x31d: {  	[tilespmem:s0+$0x300] =	vst.add.f32.msk $0xffff, v4  }
0x31e: {  	v4 =	vld [tilespmem:$0x1FB20]  }
0x31f: {  	v2 =	vld.idx.msk [tilespmem:v2+s10+$0x0], $0xffff  }
0x320: {  	v3 =	vld.idx.msk [tilespmem:v3+s10+$0x0], $0xffff;
	_ =	sdelay $0x2  }
0x321: {  	[tilespmem:s12+$0x380] =	vst.add.f32.msk $0xffff, v1  }
0x322: {  	s1 =	sadd.s32 s24, s30;
	[tilespmem:s0+$0x380] =	vst.add.f32.msk $0xffff, v2  }
0x323: {  	[tilespmem:s1+$0x0] =	vst.add.f32.msk $0xffff, v3  }
0x324: {  	v3 =	vld [tilespmem:$0x1FB50]  }
0x325: {  	v1 =	vadd.s32 v27, v51;
	v2 =	vld [tilespmem:$0x1FB40]  }
0x326: {  	v4 =	vld.idx.msk [tilespmem:v4+s10+$0x0], $0xffff;
	_ =	sdelay $0x2  }
0x327: {  	[tilespmem:s3+$0x180] =	vst.add.f32.msk $0xffff, v0  }
0x328: {  	s31 =	sadd.s32 s26, s30;
	v0 =	vld.idx.msk [tilespmem:v1+s10+$0x0], $0xffff  }
0x329: {  	v1 =	vadd.s32 v22, v51;
	[tilespmem:s31+$0x0] =	vst.add.f32.msk $0xffff, v4  }
0x32a: {  	v3 =	vld.idx.msk [tilespmem:v3+s10+$0x0], $0xffff  }
0x32b: {  	v4 =	vld [tilespmem:$0x1FB70]  }
0x32c: {  	v2 =	vld.idx.msk [tilespmem:v2+s10+$0x0], $0xffff  }
0x32d: {  	[tilespmem:s3+$0x200] =	vst.add.f32.msk $0xffff, v0  }
0x32e: {  	v0 =	vld.idx.msk [tilespmem:v1+s10+$0x0], $0xffff  }
0x32f: {  	[tilespmem:s31+$0x80] =	vst.add.f32.msk $0xffff, v3  }
0x330: {  	s30 =	sadd.s32 s25, s30;
	v3 =	vld [tilespmem:$0x1FB80]  }
0x331: {  	[tilespmem:s30+$0x0] =	vst.add.f32.msk $0xffff, v2;
	v2 =	vadd.s32 v28, v51  }
0x332: {  	v1 =	vld [tilespmem:$0x1FB60];
	_ =	sdelay $0x1  }
0x333: {  	[tilespmem:s3+$0x280] =	vst.add.f32.msk $0xffff, v0  }
0x334: {  	v4 =	vld.idx.msk [tilespmem:v4+s10+$0x0], $0xffff  }
0x335: {  	v0 =	vld.idx.msk [tilespmem:v2+s10+$0x0], $0xffff  }
0x336: {  	v2 =	vld [tilespmem:$0x1FB90]  }
0x337: {  	v3 =	vld.idx.msk [tilespmem:v3+s10+$0x0], $0xffff;
	_ =	sdelay $0x1  }
0x338: {  	v1 =	vld.idx.msk [tilespmem:v1+s10+$0x0], $0xffff  }
0x339: {  	[tilespmem:s30+$0x80] =	vst.add.f32.msk $0xffff, v4  }
0x33a: {  	v4 =	vld [tilespmem:$0x1FBA0]  }
0x33b: {  	[tilespmem:s31+$0x100] =	vst.add.f32.msk $0xffff, v3  }
0x33c: {  	v3 =	vld [tilespmem:$0x1FBC0]  }
0x33d: {  	[tilespmem:s1+$0x80] =	vst.add.f32.msk $0xffff, v1  }
0x33e: {  	v2 =	vld.idx.msk [tilespmem:v2+s10+$0x0], $0xffff;
	_ =	sdelay $0x2  }
0x33f: {  	v1 =	vadd.s32 v52, v51  }
0x340: {  	v4 =	vld.idx.msk [tilespmem:v4+s10+$0x0], $0xffff  }
0x341: {  	[tilespmem:s1+$0x100] =	vst.add.f32.msk $0xffff, v2  }
0x342: {  	v3 =	vld.idx.msk [tilespmem:v3+s10+$0x0], $0xffff  }
0x343: {  	[tilespmem:s3+$0x300] =	vst.add.f32.msk $0xffff, v0  }
0x344: {  	v0 =	vld.idx.msk [tilespmem:v1+s10+$0x0], $0xffff  }
0x345: {  	[tilespmem:s30+$0x100] =	vst.add.f32.msk $0xffff, v4  }
0x346: {  	v4 =	vld [tilespmem:$0x1FBD0]  }
0x347: {  	v2 =	vadd.s32 v29, v51;
	[tilespmem:s1+$0x180] =	vst.add.f32.msk $0xffff, v3  }
0x348: {  	v3 =	vld [tilespmem:$0x1FBF0];
	_ =	sdelay $0x1  }
0x349: {  	v1 =	vld [tilespmem:$0x1FBB0]  }
0x34a: {  	[tilespmem:s3+$0x380] =	vst.add.f32.msk $0xffff, v0  }
0x34b: {  	v0 =	vld.idx.msk [tilespmem:v2+s10+$0x0], $0xffff;
	_ =	sdelay $0x1  }
0x34c: {  	v2 =	vadd.s32 v30, v51  }
0x34d: {  	s11 =	sadd.s32 $0x6000, s29;
	v4 =	vld.idx.msk [tilespmem:v4+s10+$0x0], $0xffff  }
0x34e: {  	s29 =	sadd.s32 s28, s11;
	v3 =	vld.idx.msk [tilespmem:v3+s10+$0x0], $0xffff  }
0x34f: {  	[tilespmem:s29+$0x0] =	vst.add.f32.msk $0xffff, v0  }
0x350: {  	v1 =	vld.idx.msk [tilespmem:v1+s10+$0x0], $0xffff  }
0x351: {  	v0 =	vld.idx.msk [tilespmem:v2+s10+$0x0], $0xffff  }
0x352: {  	v2 =	vld [tilespmem:$0x1FC00]  }
0x353: {  	[tilespmem:s1+$0x200] =	vst.add.f32.msk $0xffff, v3  }
0x354: {  	v3 =	vld [tilespmem:$0x1FC20]  }
0x355: {  	[tilespmem:s31+$0x180] =	vst.add.f32.msk $0xffff, v1  }
0x356: {  	v1 =	vld [tilespmem:$0x1FBE0];
	_ =	sdelay $0x2  }
0x357: {  	[tilespmem:s30+$0x180] =	vst.add.f32.msk $0xffff, v4  }
0x358: {  	v2 =	vld.idx.msk [tilespmem:v2+s10+$0x0], $0xffff  }
0x359: {  	v4 =	vld [tilespmem:$0x1FC10]  }
0x35a: {  	v3 =	vld.idx.msk [tilespmem:v3+s10+$0x0], $0xffff;
	_ =	sdelay $0x1  }
0x35b: {  	v1 =	vld.idx.msk [tilespmem:v1+s10+$0x0], $0xffff  }
0x35c: {  	[tilespmem:s30+$0x200] =	vst.add.f32.msk $0xffff, v2  }
0x35d: {  	v2 =	vld [tilespmem:$0x1FC30]  }
0x35e: {  	[tilespmem:s1+$0x280] =	vst.add.f32.msk $0xffff, v3  }
0x35f: {  	v3 =	vld [tilespmem:$0x1FC40]  }
0x360: {  	[tilespmem:s31+$0x200] =	vst.add.f32.msk $0xffff, v1;
	v1 =	vadd.s32 v33, v51  }
0x361: {  	v4 =	vld.idx.msk [tilespmem:v4+s10+$0x0], $0xffff;
	_ =	sdelay $0x2  }
0x362: {  	[tilespmem:s29+$0x80] =	vst.add.f32.msk $0xffff, v0  }
0x363: {  	v0 =	vld.idx.msk [tilespmem:v1+s10+$0x0], $0xffff  }
0x364: {  	v1 =	vadd.s32 v31, v51;
	[tilespmem:s31+$0x280] =	vst.add.f32.msk $0xffff, v4  }
0x365: {  	v3 =	vld.idx.msk [tilespmem:v3+s10+$0x0], $0xffff  }
0x366: {  	v2 =	vld.idx.msk [tilespmem:v2+s10+$0x0], $0xffff  }
0x367: {  	v4 =	vld [tilespmem:$0x1FC60]  }
0x368: {  	[tilespmem:s29+$0x100] =	vst.add.f32.msk $0xffff, v0  }
0x369: {  	v0 =	vld.idx.msk [tilespmem:v1+s10+$0x0], $0xffff  }
0x36a: {  	[tilespmem:s31+$0x300] =	vst.add.f32.msk $0xffff, v3  }
0x36b: {  	v3 =	vld [tilespmem:$0x1FC70]  }
0x36c: {  	[tilespmem:s30+$0x280] =	vst.add.f32.msk $0xffff, v2;
	v2 =	vadd.s32 v50, v51  }
0x36d: {  	v1 =	vld [tilespmem:$0x1FC50];
	_ =	sdelay $0x1  }
0x36e: {  	v4 =	vld.idx.msk [tilespmem:v4+s10+$0x0], $0xffff  }
0x36f: {  	[tilespmem:s29+$0x180] =	vst.add.f32.msk $0xffff, v0  }
0x370: {  	v0 =	vld.idx.msk [tilespmem:v2+s10+$0x0], $0xffff  }
0x371: {  	v2 =	vld [tilespmem:$0x1FC80]  }
0x372: {  	v3 =	vld.idx.msk [tilespmem:v3+s10+$0x0], $0xffff;
	_ =	sdelay $0x1  }
0x373: {  	v1 =	vld.idx.msk [tilespmem:v1+s10+$0x0], $0xffff  }
0x374: {  	[tilespmem:s30+$0x300] =	vst.add.f32.msk $0xffff, v4  }
0x375: {  	v4 =	vld [tilespmem:$0x1FC90]  }
0x376: {  	[tilespmem:s31+$0x380] =	vst.add.f32.msk $0xffff, v3  }
0x377: {  	v3 =	vld [tilespmem:$0x1FCB0]  }
0x378: {  	[tilespmem:s1+$0x300] =	vst.add.f32.msk $0xffff, v1  }
0x379: {  	v2 =	vld.idx.msk [tilespmem:v2+s10+$0x0], $0xffff;
	_ =	sdelay $0x2  }
0x37a: {  	v1 =	vadd.s32 v40, v51  }
0x37b: {  	v4 =	vld.idx.msk [tilespmem:v4+s10+$0x0], $0xffff  }
0x37c: {  	[tilespmem:s1+$0x380] =	vst.add.f32.msk $0xffff, v2  }
0x37d: {  	v3 =	vld.idx.msk [tilespmem:v3+s10+$0x0], $0xffff  }
0x37e: {  	[tilespmem:s29+$0x200] =	vst.add.f32.msk $0xffff, v0  }
0x37f: {  	v0 =	vld.idx.msk [tilespmem:v1+s10+$0x0], $0xffff  }
0x380: {  	v1 =	vld [tilespmem:$0x1FCA0]  }
0x381: {  	s0 =	sadd.s32 s26, s11;
	s26 =	sadd.s32 s24, s11;
	[tilespmem:s30+$0x380] =	vst.add.f32.msk $0xffff, v4  }
0x382: {  	[tilespmem:s26+$0x0] =	vst.add.f32.msk $0xffff, v3  }
0x383: {  	v2 =	vadd.s32 v55, v51;
	v3 =	vld [tilespmem:$0x1FCE0]  }
0x384: {  	v4 =	vld [tilespmem:$0x1FCC0];
	_ =	sdelay $0x2  }
0x385: {  	[tilespmem:s29+$0x280] =	vst.add.f32.msk $0xffff, v0  }
0x386: {  	v0 =	vld.idx.msk [tilespmem:v2+s10+$0x0], $0xffff  }
0x387: {  	v1 =	vld.idx.msk [tilespmem:v1+s10+$0x0], $0xffff;
	_ =	sdelay $0x1  }
0x388: {  	v3 =	vld.idx.msk [tilespmem:v3+s10+$0x0], $0xffff  }
0x389: {  	v4 =	vld.idx.msk [tilespmem:v4+s10+$0x0], $0xffff  }
0x38a: {  	v2 =	vadd.s32 v47, v51;
	[tilespmem:s29+$0x300] =	vst.add.f32.msk $0xffff, v0  }
0x38b: {  	[tilespmem:s0+$0x0] =	vst.add.f32.msk $0xffff, v1  }
0x38c: {  	v1 =	vld [tilespmem:$0x1FCD0]  }
0x38d: {  	[tilespmem:s26+$0x80] =	vst.add.f32.msk $0xffff, v3  }
0x38e: {  	v3 =	vld [tilespmem:$0x1FD10]  }
0x38f: {  	v0 =	vld.idx.msk [tilespmem:v2+s10+$0x0], $0xffff  }
0x390: {  	v2 =	vld [tilespmem:$0x1FCF0];
	_ =	sdelay $0x1  }
0x391: {  	s28 =	sadd.s32 s25, s11  }
0x392: {  	[tilespmem:s28+$0x0] =	vst.add.f32.msk $0xffff, v4  }
0x393: {  	v1 =	vld.idx.msk [tilespmem:v1+s10+$0x0], $0xffff  }
0x394: {  	[tilespmem:s29+$0x380] =	vst.add.f32.msk $0xffff, v0  }
0x395: {  	v3 =	vld.idx.msk [tilespmem:v3+s10+$0x0], $0xffff  }
0x396: {  	v0 =	vld [tilespmem:$0x1FD20]  }
0x397: {  	v2 =	vld.idx.msk [tilespmem:v2+s10+$0x0], $0xffff  }
0x398: {  	[tilespmem:s0+$0x80] =	vst.add.f32.msk $0xffff, v1  }
0x399: {  	v1 =	vld [tilespmem:$0x1FD00]  }
0x39a: {  	[tilespmem:s26+$0x100] =	vst.add.f32.msk $0xffff, v3  }
0x39b: {  	v3 =	vld [tilespmem:$0x1FD50];
	_ =	sdelay $0x2  }
0x39c: {  	[tilespmem:s28+$0x80] =	vst.add.f32.msk $0xffff, v2  }
0x39d: {  	v0 =	vld.idx.msk [tilespmem:v0+s10+$0x0], $0xffff;
	_ =	sdelay $0x1  }
0x39e: {  	v1 =	vld.idx.msk [tilespmem:v1+s10+$0x0], $0xffff  }
0x39f: {  	v2 =	vld [tilespmem:$0x1FD40]  }
0x3a0: {  	v3 =	vld.idx.msk [tilespmem:v3+s10+$0x0], $0xffff  }
0x3a1: {  	[tilespmem:s28+$0x100] =	vst.add.f32.msk $0xffff, v0  }
0x3a2: {  	v0 =	vld [tilespmem:$0x1FD60]  }
0x3a3: {  	[tilespmem:s0+$0x100] =	vst.add.f32.msk $0xffff, v1  }
0x3a4: {  	v1 =	vld [tilespmem:$0x1FD30];
	_ =	sdelay $0x3  }
0x3a5: {  	v2 =	vld.idx.msk [tilespmem:v2+s10+$0x0], $0xffff;
	_ =	sdelay $0x1  }
0x3a6: {  	v0 =	vld.idx.msk [tilespmem:v0+s10+$0x0], $0xffff;
	_ =	sdelay $0x1  }
0x3a7: {  	v1 =	vld.idx.msk [tilespmem:v1+s10+$0x0], $0xffff  }
0x3a8: {  	[tilespmem:s26+$0x180] =	vst.add.f32.msk $0xffff, v2  }
0x3a9: {  	v2 =	vld [tilespmem:$0x1FD80]  }
0x3aa: {  	[tilespmem:s28+$0x180] =	vst.add.f32.msk $0xffff, v0  }
0x3ab: {  	v0 =	vld [tilespmem:$0x1FDA0]  }
0x3ac: {  	[tilespmem:s0+$0x180] =	vst.add.f32.msk $0xffff, v1  }
0x3ad: {  	v1 =	vld [tilespmem:$0x1FD70];
	_ =	sdelay $0x3  }
0x3ae: {  	v2 =	vld.idx.msk [tilespmem:v2+s10+$0x0], $0xffff;
	_ =	sdelay $0x1  }
0x3af: {  	v0 =	vld.idx.msk [tilespmem:v0+s10+$0x0], $0xffff  }
0x3b0: {  	v4 =	vld [tilespmem:$0x1FD90]  }
0x3b1: {  	v1 =	vld.idx.msk [tilespmem:v1+s10+$0x0], $0xffff  }
0x3b2: {  	[tilespmem:s26+$0x200] =	vst.add.f32.msk $0xffff, v2  }
0x3b3: {  	v2 =	vld [tilespmem:$0x1FDC0]  }
0x3b4: {  	[tilespmem:s28+$0x200] =	vst.add.f32.msk $0xffff, v0  }
0x3b5: {  	v0 =	vld [tilespmem:$0x1FDE0]  }
0x3b6: {  	[tilespmem:s20+$0x380] =	vst.add.f32.msk $0xffff, v4;
	s20 =	smov.u32 s0  }
0x3b7: {  	[tilespmem:s20+$0x200] =	vst.add.f32.msk $0xffff, v1  }
0x3b8: {  	v1 =	vld [tilespmem:$0x1FDB0];
	_ =	sdelay $0x3  }
0x3b9: {  	v5 =	vld.idx.msk [tilespmem:v2+s10+$0x0], $0xffff  }
0x3ba: {  	v4 =	vld.idx.msk [tilespmem:v0+s10+$0x0], $0xffff  }
0x3bb: {  	v0 =	vld [tilespmem:$0x1FDF0]  }
0x3bc: {  	v2 =	vld [tilespmem:$0x1FDD0]  }
0x3bd: {  	s22 =	sadd.s32 $0x4, s22;
	v1 =	vld.idx.msk [tilespmem:v1+s10+$0x0], $0xffff  }
0x3be: {  	p0 =	slt.u32 s22, $0x3C  }
.Ltmp0:
0x3bf: {  	_ = 	snop;
	(pc) =	sbr.rel @p0 .LBB2_3-.Ltmp0, $4  }
0x3c0: {  	_ = 	snop  }
0x3c1: {  	[tilespmem:s21+$0x380] =	vst.add.f32.msk $0xffff, v2  }
0x3c2: {  	[tilespmem:s20+$0x280] =	vst.add.f32.msk $0xffff, v1  }
0x3c3: {  	s23 =	sadd.s32 $0x40, s23;
	v6 =	vmov v32;
	v26 =	vlaneseq.u32;
	s21 =	smov.u32 s26;
	v0 =	vld.idx.msk [tilespmem:v0+s10+$0x0], $0xffff  }
0x3c4: {  	_ =	sdelay $0x1  }
0x3c5: {  	[tilespmem:s21+$0x280] =	vst.add.f32.msk $0xffff, v5  }
0x3c6: {  	[tilespmem:s28+$0x280] =	vst.add.f32.msk $0xffff, v4  }
0x3c7: {  	v1 =	vld.idx.msk [tilespmem:v56+s10+$0x0], $0xffff  }
0x3c8: {  	v2 =	vld.idx.msk [tilespmem:v48+s10+$0x0], $0xffff;
	_ =	sdelay $0x1  }
0x3c9: {  	[tilespmem:s20+$0x300] =	vst.add.f32.msk $0xffff, v0  }
0x3ca: {  	v0 =	vld.idx.msk [tilespmem:v53+s10+$0x0], $0xffff  }
0x3cb: {  	[tilespmem:s21+$0x300] =	vst.add.f32.msk $0xffff, v1  }
0x3cc: {  	[tilespmem:s28+$0x300] =	vst.add.f32.msk $0xffff, v2  }
0x3cd: {  	v1 =	vld.idx.msk [tilespmem:v24+s10+$0x0], $0xffff  }
0x3ce: {  	s0 =	sshll.u32 s15, $0xC;
	s15 =	sadd.s32 $0x1, s15;
	v2 =	vld.idx.msk [tilespmem:v6+s10+$0x0], $0xffff  }
0x3cf: {  	p0 =	sne.s32 s15, $0x20  }
.Ltmp1:
0x3d0: {  	[tilespmem:s18+$0x380] =	vst.add.f32.msk $0xffff, v3;
	(pc) =	sbr.rel @p0 .LBB2_2-.Ltmp1, $4  }
0x3d1: {  	[tilespmem:s20+$0x380] =	vst.add.f32.msk $0xffff, v0  }
0x3d2: {  	[tilespmem:s21+$0x380] =	vst.add.f32.msk $0xffff, v1  }
0x3d3: {  	s1 =	sadd.s32 $0x4, s16;
	s0 =	sadd.s32 s0, s7;
	[tilespmem:s28+$0x380] =	vst.add.f32.msk $0xffff, v2  }
0x3d4: {  	[hbm4b:s0+s2] =	stream.linear.scatter [tilespmem:s17], [sflag:s1], $0x8000, $0x38;
	[tilespmem:$0x1B800] =	vst v63  }
0x3d5: {  	s14 =	sadd.s32 $0x1, s14  }
0x3d6: {  	p0 =	sne.s32 s14, s8  }
.Ltmp2:
0x3d7: {  	_ = 	snop;
	(pc) =	sbr.rel @p0 .LBB2_1-.Ltmp2, $4  }
0x3d8: {  	_ = 	snop  }
0x3d9: {  	_ =	swait.ge [sflag:s13], $0x8000  }
0x3da: {  	[sflag:s13] =	ssyncset.done $0x0  }
0x3db: {  	[sflag:s13] =	ssyncadd.s32 $0xFFFF8000  }
0x3dc: {  	_ =	sfence.sel $0x180000  }
0x3dd: {  	[bflag:$0x0] =	sbarrier.arrive $0xFFFF  }
0x3de: {  	_ =	strace $0x90000047  }
0x3df: {  	s0 =	stileid.u32;
	[bflag:$0x2] =	sbarrier.arrive $0xFFFF  }
0x3e0: {  	p0 =	sne.s32 s0, $0x0;
	s0 =	rddreg [dreg:$0x3]  }
0x3e1: {  	s0 =	sadd.s32 @!p0 $0x100000, s0  }
0x3e2: {  	[sflag:s0] =	ssyncadd.tile.s32 @!p0 $0x1;
	_ =	shalt  }
.Lfunc_end2:
_tile_overlayer_lowered:
.L_overlay_start_2:
0x3e3: {  	(tag) =	ssettag $0x2  }
0x3e4: {  	s0 =	rddreg [dreg:$0x0];
	s2 =	stileid.u32  }
0x3e5: {  	s1 =	rddreg [dreg:$0x1];
	p0 =	sne.s32 s2, $0x0  }
0x3e6: {  	s3 =	rddreg [dreg:$0x2];
	[bflag:$0x3] =	sbarrier.arrive $0xFFFF;
	s2 =	simm.s32 @!p0 $0x1C07  }
0x3e7: {  	[timem:s3], [sflag:s2] =	dma.local @!p0 [hbm:s0], s1  }
0x3e8: {  	s0 =	simm.s32 @!p0 $0x7  }
0x3e9: {  	_ =	swait.ge @!p0 [sflag:s0], s1  }
0x3ea: {  	s1 =	ssub.s32 @!p0 $0x0, s1;
	[sflag:s0] =	ssyncset.done @!p0 $0x0  }
0x3eb: {  	[sflag:s0] =	ssyncadd.s32 @!p0 s1  }
0x3ec: {  	[bflag:$0x3] =	sbarrier.arrive $0xFFFF  }
0x3ed: {  	_ =	shalt  }

</sc_bundles>
